<compile_context>
chip_gen: v7x
topology: tpu7x:2x2x1
jax: 0.10.2.dev20260603
libtpu: 0.0.44.dev20260713+nightly
codegen_flags: <defaults>
</compile_context>

<pallas_src>
import jax
import jax.numpy as jnp
from jax import lax
from jax.experimental import pallas as pl
from jax.experimental.pallas import tpu as pltpu
from jax.experimental.pallas import tpu_sc as plsc

DIM = 128
NC, NS, L = 2, 16, 16
NW = NC * NS
E = 320000
PER_W = E // NW
GR = 80
NG = PER_W // GR
NB = 5
LAG = 2
HEAD = 2 * NB * GR
S0, S1 = 21, 3


def _body(a0_hbm, a1_hbm, a2_hbm, tab_hbm, out_hbm,
          a0v, a1v, a2v, cidx, rb0, rb1, rb2, rb3, rb4, tab_sp,
          isem, rsem, g0, g1, g2, g3, g4, s0, s1, s2, s3, s4):
    wid = lax.axis_index("s") * NC + lax.axis_index("c")
    base = pl.multiple_of(wid * PER_W, GR)
    rows = [rb0, rb1, rb2, rb3, rb4]
    gsem = [g0, g1, g2, g3, g4]
    ssem = [s0, s1, s2, s3, s4]

    d0 = pltpu.async_copy(a0_hbm.at[pl.ds(base, HEAD)], a0v.at[pl.ds(0, HEAD)], isem)
    d1 = pltpu.async_copy(a1_hbm.at[pl.ds(base, HEAD)], a1v.at[pl.ds(0, HEAD)], isem)
    d2 = pltpu.async_copy(a2_hbm.at[pl.ds(base, HEAD)], a2v.at[pl.ds(0, HEAD)], isem)
    base_r = pl.multiple_of(base + HEAD, 8)
    r0 = pltpu.async_copy(a0_hbm.at[pl.ds(base_r, PER_W - HEAD)],
                          a0v.at[pl.ds(HEAD, PER_W - HEAD)], rsem)
    r1 = pltpu.async_copy(a1_hbm.at[pl.ds(base_r, PER_W - HEAD)],
                          a1v.at[pl.ds(HEAD, PER_W - HEAD)], rsem)
    r2 = pltpu.async_copy(a2_hbm.at[pl.ds(base_r, PER_W - HEAD)],
                          a2v.at[pl.ds(HEAD, PER_W - HEAD)], rsem)
    sid = lax.axis_index("s")
    srow = pl.multiple_of(sid * (128 // NS), 8)
    pltpu.sync_copy(tab_hbm.at[pl.ds(srow, 128 // NS)],
                    tab_sp.at[pl.ds(srow, 128 // NS)])
    d0.wait(); d1.wait(); d2.wait()
    plsc.subcore_barrier()

    def cidx_slice(t):
        return cidx.at[pl.ds(pl.multiple_of(t * GR, 8), GR)]

    def prep(t, b):
        for j in range(GR // L):
            s = pl.ds(pl.multiple_of(t * GR + j * L, 8), L)
            cidx[s] = a0v[s] * S0 + a1v[s] * S1 + a2v[s]

    def fire_gather(t, b):
        pltpu.async_copy(tab_sp.at[cidx_slice(t)], rows[b], gsem[b])

    def finish(t, b):
        pltpu.make_async_copy(tab_sp.at[cidx_slice(t)], rows[b], gsem[b]).wait()
        off = pl.multiple_of(base + t * GR, 8)
        pltpu.async_copy(rows[b], out_hbm.at[pl.ds(off, GR)], ssem[b])

    def drain_store(b):
        pltpu.make_async_copy(rows[b], out_hbm.at[pl.ds(base, GR)], ssem[b]).wait()

    for t in range(NB):
        prep(t, t)
        fire_gather(t, t)
        if t >= LAG:
            finish(t - LAG, t - LAG)
    r0.wait(); r1.wait(); r2.wait()

    def outer(i, carry):
        t0 = NB + i * NB
        for u in range(NB):
            t = t0 + u
            b = u
            prep(t, b)
            finish(t - LAG, (u - LAG) % NB)
            drain_store(b)
            fire_gather(t, b)
        return carry

    lax.fori_loop(0, NG // NB - 1, outer, 0)

    for t in range(NG - LAG, NG):
        finish(t, t % NB)
    for b in range(NB):
        drain_store(b)


def kernel(edge_attr, W0, W1, W2):
    ea = edge_attr.astype(jnp.int32)
    a0, a1, a2 = ea[:, 0], ea[:, 1], ea[:, 2]
    tab = (W0[:, None, None, :] + W1[None, :, None, :]
           + W2[None, None, :, :]).reshape(-1, DIM)
    tab = jnp.pad(tab, ((0, 128 - tab.shape[0]), (0, 0)))

    mesh = plsc.VectorSubcoreMesh(core_axis_name="c", subcore_axis_name="s")
    f = pl.kernel(
        _body,
        out_type=jax.ShapeDtypeStruct((E, DIM), jnp.float32),
        mesh=mesh,
        scratch_types=(
            [pltpu.VMEM((PER_W,), jnp.int32) for _ in range(4)]
            + [pltpu.VMEM((GR, DIM), jnp.float32) for _ in range(NB)]
            + [pltpu.VMEM_SHARED((128, DIM), jnp.float32)]
            + [pltpu.SemaphoreType.DMA for _ in range(12)]
        ),
    )
    return f(a0, a1, a2, tab)

# --- scband reference (transcript-rebuilt; emitter-appended) ---
"""Pipeline reference for scband-bond-encoder-79276506349978 (READ-ONLY COPY).

The authoritative reference and input builder live on the scoring server;
editing this copy changes nothing except your own understanding.
"""

import jax, jax.numpy as jnp
import numpy as np

BOND_FEATURES_DIM = [5, 6, 2]
DIM_EMB = 128
E = 320000

def _xavier(key, shape):
    fan_in, fan_out = shape[0], shape[1]
    a = float(np.sqrt(6.0 / (fan_in + fan_out)))
    return jax.random.uniform(key, shape, dtype=jnp.float32, minval=-a, maxval=a)

def setup_inputs(seed: int = 0) -> dict:
    key = jax.random.key(seed)
    k_idx, k0, k1, k2 = jax.random.split(key, 4)
    edge_attr = jax.random.randint(k_idx, (E, 3), 0, 3, dtype=jnp.int64)
    W0 = _xavier(k0, (BOND_FEATURES_DIM[0] + 1, DIM_EMB))
    W1 = _xavier(k1, (BOND_FEATURES_DIM[1] + 1, DIM_EMB))
    W2 = _xavier(k2, (BOND_FEATURES_DIM[2] + 1, DIM_EMB))
    return {"edge_attr": edge_attr, "W0": W0, "W1": W1, "W2": W2}

def reference(edge_attr, W0, W1, W2):
    # bond_embedding = sum_i emb_i(edge_attr[:, i])
    tables = [W0, W1, W2]
    bond_embedding = jnp.zeros((edge_attr.shape[0], DIM_EMB), dtype=jnp.float32)
    for i in range(edge_attr.shape[1]):
        bond_embedding = bond_embedding + jnp.take(tables[i], edge_attr[:, i], axis=0)
    return bond_embedding

if __name__ == "__main__":
    import jax
    _d = setup_inputs()
    print(jax.jit(kernel)(*tuple(_d.values())))

</pallas_src>

<mosaic_0001>
#map = affine_map<(d0, d1) -> (0)>
#map1 = affine_map<(d0, d1) -> (0, 0)>
module attributes {stable_mosaic.version = 14 : i64} {
  func.func @_body(%arg0: i32, %arg1: i32, %arg2: memref<320000xi32, #tpu.memory_space<hbm>>, %arg3: memref<320000xi32, #tpu.memory_space<hbm>>, %arg4: memref<320000xi32, #tpu.memory_space<hbm>>, %arg5: memref<128x128xf32, #tpu.memory_space<hbm>>, %arg6: memref<320000x128xf32, #tpu.memory_space<hbm>>, %arg7: memref<10000xi32, #tpu.memory_space<vmem>>, %arg8: memref<10000xi32, #tpu.memory_space<vmem>>, %arg9: memref<10000xi32, #tpu.memory_space<vmem>>, %arg10: memref<10000xi32, #tpu.memory_space<vmem>>, %arg11: memref<80x128xf32, #tpu.memory_space<vmem>>, %arg12: memref<80x128xf32, #tpu.memory_space<vmem>>, %arg13: memref<80x128xf32, #tpu.memory_space<vmem>>, %arg14: memref<80x128xf32, #tpu.memory_space<vmem>>, %arg15: memref<80x128xf32, #tpu.memory_space<vmem>>, %arg16: memref<128x128xf32, #tpu.memory_space<vmem_shared>>, %arg17: memref<!tpu.dma_semaphore, #tpu.memory_space<semaphore_mem>>, %arg18: memref<!tpu.dma_semaphore, #tpu.memory_space<semaphore_mem>>, %arg19: memref<!tpu.dma_semaphore, #tpu.memory_space<semaphore_mem>>, %arg20: memref<!tpu.dma_semaphore, #tpu.memory_space<semaphore_mem>>, %arg21: memref<!tpu.dma_semaphore, #tpu.memory_space<semaphore_mem>>, %arg22: memref<!tpu.dma_semaphore, #tpu.memory_space<semaphore_mem>>, %arg23: memref<!tpu.dma_semaphore, #tpu.memory_space<semaphore_mem>>, %arg24: memref<!tpu.dma_semaphore, #tpu.memory_space<semaphore_mem>>, %arg25: memref<!tpu.dma_semaphore, #tpu.memory_space<semaphore_mem>>, %arg26: memref<!tpu.dma_semaphore, #tpu.memory_space<semaphore_mem>>, %arg27: memref<!tpu.dma_semaphore, #tpu.memory_space<semaphore_mem>>, %arg28: memref<!tpu.dma_semaphore, #tpu.memory_space<semaphore_mem>>) attributes {dimension_semantics = [#tpu.dimension_semantics<core_parallel>, #tpu.dimension_semantics<subcore_parallel>], iteration_bounds = array<i64: 2, 16>, scalar_prefetch = 0 : i64, scratch_operands = 22 : i64, tpu.core_type = #tpu.core_type<sc_vector_subcore>, window_params = [{transform_indices = #map}, {transform_indices = #map}, {transform_indices = #map}, {transform_indices = #map1}, {transform_indices = #map1}]} {
    %mul3A = arith.constant 2 : i32
    %mul3A_0 = arith.muli %arg1, %mul3A : i32
    %add3A = arith.addi %mul3A_0, %arg0 : i32
    %mul3A_1 = arith.constant 10000 : i32
    %mul3A_2 = arith.muli %add3A, %mul3A_1 : i32
    %multiple_of3A = tpu.assume_multiple %mul3A_2, 80 : i32
    %dma_start3A = arith.constant 0 : i32
    %dma_start3A_3 = tpu.memref_slice %arg7[%dma_start3A] : memref<10000xi32, #tpu.memory_space<vmem>> -> memref<800xi32, #tpu.memory_space<vmem>>
    %dma_start3A_4 = tpu.memref_slice %arg2[%multiple_of3A] : memref<320000xi32, #tpu.memory_space<hbm>> -> memref<800xi32, #tpu.memory_space<hbm>>
    %dma_start3A_5 = arith.constant 0 : i32
    %dma_start3A_6 = tpu.memref_slice %arg7[%dma_start3A_5] : memref<10000xi32, #tpu.memory_space<vmem>> -> memref<800xi32, #tpu.memory_space<vmem>>
    %dma_start3A_7 = tpu.memref_slice %arg2[%multiple_of3A] : memref<320000xi32, #tpu.memory_space<hbm>> -> memref<800xi32, #tpu.memory_space<hbm>>
    tpu.enqueue_dma source(%dma_start3A_7 : memref<800xi32, #tpu.memory_space<hbm>>) target(%dma_start3A_6 : memref<800xi32, #tpu.memory_space<vmem>>) target_semaphore(%arg17 : memref<!tpu.dma_semaphore, #tpu.memory_space<semaphore_mem>>)
    %dma_start3A_8 = arith.constant 0 : i32
    %dma_start3A_9 = tpu.memref_slice %arg8[%dma_start3A_8] : memref<10000xi32, #tpu.memory_space<vmem>> -> memref<800xi32, #tpu.memory_space<vmem>>
    %dma_start3A_10 = tpu.memref_slice %arg3[%multiple_of3A] : memref<320000xi32, #tpu.memory_space<hbm>> -> memref<800xi32, #tpu.memory_space<hbm>>
    %dma_start3A_11 = arith.constant 0 : i32
    %dma_start3A_12 = tpu.memref_slice %arg8[%dma_start3A_11] : memref<10000xi32, #tpu.memory_space<vmem>> -> memref<800xi32, #tpu.memory_space<vmem>>
    %dma_start3A_13 = tpu.memref_slice %arg3[%multiple_of3A] : memref<320000xi32, #tpu.memory_space<hbm>> -> memref<800xi32, #tpu.memory_space<hbm>>
    tpu.enqueue_dma source(%dma_start3A_13 : memref<800xi32, #tpu.memory_space<hbm>>) target(%dma_start3A_12 : memref<800xi32, #tpu.memory_space<vmem>>) target_semaphore(%arg17 : memref<!tpu.dma_semaphore, #tpu.memory_space<semaphore_mem>>)
    %dma_start3A_14 = arith.constant 0 : i32
    %dma_start3A_15 = tpu.memref_slice %arg9[%dma_start3A_14] : memref<10000xi32, #tpu.memory_space<vmem>> -> memref<800xi32, #tpu.memory_space<vmem>>
    %dma_start3A_16 = tpu.memref_slice %arg4[%multiple_of3A] : memref<320000xi32, #tpu.memory_space<hbm>> -> memref<800xi32, #tpu.memory_space<hbm>>
    %dma_start3A_17 = arith.constant 0 : i32
    %dma_start3A_18 = tpu.memref_slice %arg9[%dma_start3A_17] : memref<10000xi32, #tpu.memory_space<vmem>> -> memref<800xi32, #tpu.memory_space<vmem>>
    %dma_start3A_19 = tpu.memref_slice %arg4[%multiple_of3A] : memref<320000xi32, #tpu.memory_space<hbm>> -> memref<800xi32, #tpu.memory_space<hbm>>
    tpu.enqueue_dma source(%dma_start3A_19 : memref<800xi32, #tpu.memory_space<hbm>>) target(%dma_start3A_18 : memref<800xi32, #tpu.memory_space<vmem>>) target_semaphore(%arg17 : memref<!tpu.dma_semaphore, #tpu.memory_space<semaphore_mem>>)
    %add3A_20 = arith.constant 800 : i32
    %add3A_21 = arith.addi %multiple_of3A, %add3A_20 : i32
    %multiple_of3A_22 = tpu.assume_multiple %add3A_21, 8 : i32
    %dma_start3A_23 = arith.constant 800 : i32
    %dma_start3A_24 = tpu.memref_slice %arg7[%dma_start3A_23] : memref<10000xi32, #tpu.memory_space<vmem>> -> memref<9200xi32, #tpu.memory_space<vmem>>
    %dma_start3A_25 = tpu.memref_slice %arg2[%multiple_of3A_22] : memref<320000xi32, #tpu.memory_space<hbm>> -> memref<9200xi32, #tpu.memory_space<hbm>>
    %dma_start3A_26 = arith.constant 800 : i32
    %dma_start3A_27 = tpu.memref_slice %arg7[%dma_start3A_26] : memref<10000xi32, #tpu.memory_space<vmem>> -> memref<9200xi32, #tpu.memory_space<vmem>>
    %dma_start3A_28 = tpu.memref_slice %arg2[%multiple_of3A_22] : memref<320000xi32, #tpu.memory_space<hbm>> -> memref<9200xi32, #tpu.memory_space<hbm>>
    tpu.enqueue_dma source(%dma_start3A_28 : memref<9200xi32, #tpu.memory_space<hbm>>) target(%dma_start3A_27 : memref<9200xi32, #tpu.memory_space<vmem>>) target_semaphore(%arg18 : memref<!tpu.dma_semaphore, #tpu.memory_space<semaphore_mem>>)
    %dma_start3A_29 = arith.constant 800 : i32
    %dma_start3A_30 = tpu.memref_slice %arg8[%dma_start3A_29] : memref<10000xi32, #tpu.memory_space<vmem>> -> memref<9200xi32, #tpu.memory_space<vmem>>
    %dma_start3A_31 = tpu.memref_slice %arg3[%multiple_of3A_22] : memref<320000xi32, #tpu.memory_space<hbm>> -> memref<9200xi32, #tpu.memory_space<hbm>>
    %dma_start3A_32 = arith.constant 800 : i32
    %dma_start3A_33 = tpu.memref_slice %arg8[%dma_start3A_32] : memref<10000xi32, #tpu.memory_space<vmem>> -> memref<9200xi32, #tpu.memory_space<vmem>>
    %dma_start3A_34 = tpu.memref_slice %arg3[%multiple_of3A_22] : memref<320000xi32, #tpu.memory_space<hbm>> -> memref<9200xi32, #tpu.memory_space<hbm>>
    tpu.enqueue_dma source(%dma_start3A_34 : memref<9200xi32, #tpu.memory_space<hbm>>) target(%dma_start3A_33 : memref<9200xi32, #tpu.memory_space<vmem>>) target_semaphore(%arg18 : memref<!tpu.dma_semaphore, #tpu.memory_space<semaphore_mem>>)
    %dma_start3A_35 = arith.constant 800 : i32
    %dma_start3A_36 = tpu.memref_slice %arg9[%dma_start3A_35] : memref<10000xi32, #tpu.memory_space<vmem>> -> memref<9200xi32, #tpu.memory_space<vmem>>
    %dma_start3A_37 = tpu.memref_slice %arg4[%multiple_of3A_22] : memref<320000xi32, #tpu.memory_space<hbm>> -> memref<9200xi32, #tpu.memory_space<hbm>>
    %dma_start3A_38 = arith.constant 800 : i32
    %dma_start3A_39 = tpu.memref_slice %arg9[%dma_start3A_38] : memref<10000xi32, #tpu.memory_space<vmem>> -> memref<9200xi32, #tpu.memory_space<vmem>>
    %dma_start3A_40 = tpu.memref_slice %arg4[%multiple_of3A_22] : memref<320000xi32, #tpu.memory_space<hbm>> -> memref<9200xi32, #tpu.memory_space<hbm>>
    tpu.enqueue_dma source(%dma_start3A_40 : memref<9200xi32, #tpu.memory_space<hbm>>) target(%dma_start3A_39 : memref<9200xi32, #tpu.memory_space<vmem>>) target_semaphore(%arg18 : memref<!tpu.dma_semaphore, #tpu.memory_space<semaphore_mem>>)
    %mul3A_41 = arith.constant 8 : i32
    %mul3A_42 = arith.muli %arg1, %mul3A_41 : i32
    %multiple_of3A_43 = tpu.assume_multiple %mul3A_42, 8 : i32
    "tpu.region"() ({
      %run_scoped3A = tpu.sem_alloc : memref<!tpu.dma_semaphore, #tpu.memory_space<semaphore_mem>>
      %dma_start3A_772 = arith.constant 0 : i32
      %dma_start3A_773 = tpu.memref_slice %arg16[%multiple_of3A_43, %dma_start3A_772] : memref<128x128xf32, #tpu.memory_space<vmem_shared>> -> memref<8x128xf32, #tpu.memory_space<vmem_shared>>
      %dma_start3A_774 = arith.constant 0 : i32
      %dma_start3A_775 = tpu.memref_slice %arg5[%multiple_of3A_43, %dma_start3A_774] : memref<128x128xf32, #tpu.memory_space<hbm>> -> memref<8x128xf32, #tpu.memory_space<hbm>>
      tpu.enqueue_dma source(%dma_start3A_775 : memref<8x128xf32, #tpu.memory_space<hbm>>) target(%dma_start3A_773 : memref<8x128xf32, #tpu.memory_space<vmem_shared>>) target_semaphore(%run_scoped3A : memref<!tpu.dma_semaphore, #tpu.memory_space<semaphore_mem>>)
      %dma_wait3A_776 = arith.constant 0 : i32
      %dma_wait3A_777 = tpu.memref_slice %arg16[%multiple_of3A_43, %dma_wait3A_776] : memref<128x128xf32, #tpu.memory_space<vmem_shared>> -> memref<8x128xf32, #tpu.memory_space<vmem_shared>>
      %dma_wait3A_778 = arith.constant 0 : i32
      %dma_wait3A_779 = tpu.memref_slice %arg5[%multiple_of3A_43, %dma_wait3A_778] : memref<128x128xf32, #tpu.memory_space<hbm>> -> memref<8x128xf32, #tpu.memory_space<hbm>>
      tpu.wait_dma2 semaphore(%run_scoped3A : memref<!tpu.dma_semaphore, #tpu.memory_space<semaphore_mem>>) src(%dma_wait3A_779 : memref<8x128xf32, #tpu.memory_space<hbm>>) dst(%dma_wait3A_777 : memref<8x128xf32, #tpu.memory_space<vmem_shared>>)
      tpu.yield
    }) : () -> ()
    %dma_wait3A = arith.constant 0 : i32
    %dma_wait3A_44 = tpu.memref_slice %arg7[%dma_wait3A] : memref<10000xi32, #tpu.memory_space<vmem>> -> memref<800xi32, #tpu.memory_space<vmem>>
    %dma_wait3A_45 = tpu.memref_slice %arg2[%multiple_of3A] : memref<320000xi32, #tpu.memory_space<hbm>> -> memref<800xi32, #tpu.memory_space<hbm>>
    %dma_wait3A_46 = arith.constant 0 : i32
    %dma_wait3A_47 = tpu.memref_slice %arg7[%dma_wait3A_46] : memref<10000xi32, #tpu.memory_space<vmem>> -> memref<800xi32, #tpu.memory_space<vmem>>
    %dma_wait3A_48 = tpu.memref_slice %arg2[%multiple_of3A] : memref<320000xi32, #tpu.memory_space<hbm>> -> memref<800xi32, #tpu.memory_space<hbm>>
    tpu.wait_dma2 semaphore(%arg17 : memref<!tpu.dma_semaphore, #tpu.memory_space<semaphore_mem>>) src(%dma_wait3A_48 : memref<800xi32, #tpu.memory_space<hbm>>) dst(%dma_wait3A_47 : memref<800xi32, #tpu.memory_space<vmem>>)
    %dma_wait3A_49 = arith.constant 0 : i32
    %dma_wait3A_50 = tpu.memref_slice %arg8[%dma_wait3A_49] : memref<10000xi32, #tpu.memory_space<vmem>> -> memref<800xi32, #tpu.memory_space<vmem>>
    %dma_wait3A_51 = tpu.memref_slice %arg3[%multiple_of3A] : memref<320000xi32, #tpu.memory_space<hbm>> -> memref<800xi32, #tpu.memory_space<hbm>>
    %dma_wait3A_52 = arith.constant 0 : i32
    %dma_wait3A_53 = tpu.memref_slice %arg8[%dma_wait3A_52] : memref<10000xi32, #tpu.memory_space<vmem>> -> memref<800xi32, #tpu.memory_space<vmem>>
    %dma_wait3A_54 = tpu.memref_slice %arg3[%multiple_of3A] : memref<320000xi32, #tpu.memory_space<hbm>> -> memref<800xi32, #tpu.memory_space<hbm>>
    tpu.wait_dma2 semaphore(%arg17 : memref<!tpu.dma_semaphore, #tpu.memory_space<semaphore_mem>>) src(%dma_wait3A_54 : memref<800xi32, #tpu.memory_space<hbm>>) dst(%dma_wait3A_53 : memref<800xi32, #tpu.memory_space<vmem>>)
    %dma_wait3A_55 = arith.constant 0 : i32
    %dma_wait3A_56 = tpu.memref_slice %arg9[%dma_wait3A_55] : memref<10000xi32, #tpu.memory_space<vmem>> -> memref<800xi32, #tpu.memory_space<vmem>>
    %dma_wait3A_57 = tpu.memref_slice %arg4[%multiple_of3A] : memref<320000xi32, #tpu.memory_space<hbm>> -> memref<800xi32, #tpu.memory_space<hbm>>
    %dma_wait3A_58 = arith.constant 0 : i32
    %dma_wait3A_59 = tpu.memref_slice %arg9[%dma_wait3A_58] : memref<10000xi32, #tpu.memory_space<vmem>> -> memref<800xi32, #tpu.memory_space<vmem>>
    %dma_wait3A_60 = tpu.memref_slice %arg4[%multiple_of3A] : memref<320000xi32, #tpu.memory_space<hbm>> -> memref<800xi32, #tpu.memory_space<hbm>>
    tpu.wait_dma2 semaphore(%arg17 : memref<!tpu.dma_semaphore, #tpu.memory_space<semaphore_mem>>) src(%dma_wait3A_60 : memref<800xi32, #tpu.memory_space<hbm>>) dst(%dma_wait3A_59 : memref<800xi32, #tpu.memory_space<vmem>>)
    %barrier3A = arith.constant 0 : index
    tpu.barrier barrier_id(%barrier3A)
    %multiple_of3A_61 = arith.constant 0 : i32
    %multiple_of3A_62 = tpu.assume_multiple %multiple_of3A_61, 8 : i32
    %get3A = arith.index_cast %multiple_of3A_62 : i32 to index
    %get3A_63 = tpu.vector_load %arg7[%get3A] {strides = array<i32>} : memref<10000xi32, #tpu.memory_space<vmem>>, vector<16xi32>,
    %get3A_64 = vector.shape_cast %get3A_63 : vector<16xi32> to vector<16xi32>
    %mul3A_65 = arith.constant 21 : i32
    %mul3A_66 = vector.broadcast %mul3A_65 : i32 to vector<16xi32>
    %mul3A_67 = arith.muli %get3A_64, %mul3A_66 : vector<16xi32>
    %get3A_68 = arith.index_cast %multiple_of3A_62 : i32 to index
    %get3A_69 = tpu.vector_load %arg8[%get3A_68] {strides = array<i32>} : memref<10000xi32, #tpu.memory_space<vmem>>, vector<16xi32>,
    %get3A_70 = vector.shape_cast %get3A_69 : vector<16xi32> to vector<16xi32>
    %mul3A_71 = arith.constant 3 : i32
    %mul3A_72 = vector.broadcast %mul3A_71 : i32 to vector<16xi32>
    %mul3A_73 = arith.muli %get3A_70, %mul3A_72 : vector<16xi32>
    %add3A_74 = arith.addi %mul3A_67, %mul3A_73 : vector<16xi32>
    %get3A_75 = arith.index_cast %multiple_of3A_62 : i32 to index
    %get3A_76 = tpu.vector_load %arg9[%get3A_75] {strides = array<i32>} : memref<10000xi32, #tpu.memory_space<vmem>>, vector<16xi32>,
    %get3A_77 = vector.shape_cast %get3A_76 : vector<16xi32> to vector<16xi32>
    %add3A_78 = arith.addi %add3A_74, %get3A_77 : vector<16xi32>
    %swap3A = arith.index_cast %multiple_of3A_62 : i32 to index
    %swap3A_79 = tpu.vector_load %arg10[%swap3A] {strides = array<i32>} : memref<10000xi32, #tpu.memory_space<vmem>>, vector<16xi32>,
    %swap3A_80 = vector.shape_cast %swap3A_79 : vector<16xi32> to vector<16xi32>
    %swap3A_81 = vector.shape_cast %add3A_78 : vector<16xi32> to vector<16xi32>
    tpu.vector_store %arg10[%swap3A], %swap3A_81 {strides = array<i32>} : memref<10000xi32, #tpu.memory_space<vmem>>, vector<16xi32>,
    %multiple_of3A_82 = arith.constant 16 : i32
    %multiple_of3A_83 = tpu.assume_multiple %multiple_of3A_82, 8 : i32
    %get3A_84 = arith.index_cast %multiple_of3A_83 : i32 to index
    %get3A_85 = tpu.vector_load %arg7[%get3A_84] {strides = array<i32>} : memref<10000xi32, #tpu.memory_space<vmem>>, vector<16xi32>,
    %get3A_86 = vector.shape_cast %get3A_85 : vector<16xi32> to vector<16xi32>
    %mul3A_87 = arith.constant 21 : i32
    %mul3A_88 = vector.broadcast %mul3A_87 : i32 to vector<16xi32>
    %mul3A_89 = arith.muli %get3A_86, %mul3A_88 : vector<16xi32>
    %get3A_90 = arith.index_cast %multiple_of3A_83 : i32 to index
    %get3A_91 = tpu.vector_load %arg8[%get3A_90] {strides = array<i32>} : memref<10000xi32, #tpu.memory_space<vmem>>, vector<16xi32>,
    %get3A_92 = vector.shape_cast %get3A_91 : vector<16xi32> to vector<16xi32>
    %mul3A_93 = arith.constant 3 : i32
    %mul3A_94 = vector.broadcast %mul3A_93 : i32 to vector<16xi32>
    %mul3A_95 = arith.muli %get3A_92, %mul3A_94 : vector<16xi32>
    %add3A_96 = arith.addi %mul3A_89, %mul3A_95 : vector<16xi32>
    %get3A_97 = arith.index_cast %multiple_of3A_83 : i32 to index
    %get3A_98 = tpu.vector_load %arg9[%get3A_97] {strides = array<i32>} : memref<10000xi32, #tpu.memory_space<vmem>>, vector<16xi32>,
    %get3A_99 = vector.shape_cast %get3A_98 : vector<16xi32> to vector<16xi32>
    %add3A_100 = arith.addi %add3A_96, %get3A_99 : vector<16xi32>
    %swap3A_101 = arith.index_cast %multiple_of3A_83 : i32 to index
    %swap3A_102 = tpu.vector_load %arg10[%swap3A_101] {strides = array<i32>} : memref<10000xi32, #tpu.memory_space<vmem>>, vector<16xi32>,
    %swap3A_103 = vector.shape_cast %swap3A_102 : vector<16xi32> to vector<16xi32>
    %swap3A_104 = vector.shape_cast %add3A_100 : vector<16xi32> to vector<16xi32>
    tpu.vector_store %arg10[%swap3A_101], %swap3A_104 {strides = array<i32>} : memref<10000xi32, #tpu.memory_space<vmem>>, vector<16xi32>,
    %multiple_of3A_105 = arith.constant 32 : i32
    %multiple_of3A_106 = tpu.assume_multiple %multiple_of3A_105, 8 : i32
    %get3A_107 = arith.index_cast %multiple_of3A_106 : i32 to index
    %get3A_108 = tpu.vector_load %arg7[%get3A_107] {strides = array<i32>} : memref<10000xi32, #tpu.memory_space<vmem>>, vector<16xi32>,
    %get3A_109 = vector.shape_cast %get3A_108 : vector<16xi32> to vector<16xi32>
    %mul3A_110 = arith.constant 21 : i32
    %mul3A_111 = vector.broadcast %mul3A_110 : i32 to vector<16xi32>
    %mul3A_112 = arith.muli %get3A_109, %mul3A_111 : vector<16xi32>
    %get3A_113 = arith.index_cast %multiple_of3A_106 : i32 to index
    %get3A_114 = tpu.vector_load %arg8[%get3A_113] {strides = array<i32>} : memref<10000xi32, #tpu.memory_space<vmem>>, vector<16xi32>,
    %get3A_115 = vector.shape_cast %get3A_114 : vector<16xi32> to vector<16xi32>
    %mul3A_116 = arith.constant 3 : i32
    %mul3A_117 = vector.broadcast %mul3A_116 : i32 to vector<16xi32>
    %mul3A_118 = arith.muli %get3A_115, %mul3A_117 : vector<16xi32>
    %add3A_119 = arith.addi %mul3A_112, %mul3A_118 : vector<16xi32>
    %get3A_120 = arith.index_cast %multiple_of3A_106 : i32 to index
    %get3A_121 = tpu.vector_load %arg9[%get3A_120] {strides = array<i32>} : memref<10000xi32, #tpu.memory_space<vmem>>, vector<16xi32>,
    %get3A_122 = vector.shape_cast %get3A_121 : vector<16xi32> to vector<16xi32>
    %add3A_123 = arith.addi %add3A_119, %get3A_122 : vector<16xi32>
    %swap3A_124 = arith.index_cast %multiple_of3A_106 : i32 to index
    %swap3A_125 = tpu.vector_load %arg10[%swap3A_124] {strides = array<i32>} : memref<10000xi32, #tpu.memory_space<vmem>>, vector<16xi32>,
    %swap3A_126 = vector.shape_cast %swap3A_125 : vector<16xi32> to vector<16xi32>
    %swap3A_127 = vector.shape_cast %add3A_123 : vector<16xi32> to vector<16xi32>
    tpu.vector_store %arg10[%swap3A_124], %swap3A_127 {strides = array<i32>} : memref<10000xi32, #tpu.memory_space<vmem>>, vector<16xi32>,
    %multiple_of3A_128 = arith.constant 48 : i32
    %multiple_of3A_129 = tpu.assume_multiple %multiple_of3A_128, 8 : i32
    %get3A_130 = arith.index_cast %multiple_of3A_129 : i32 to index
    %get3A_131 = tpu.vector_load %arg7[%get3A_130] {strides = array<i32>} : memref<10000xi32, #tpu.memory_space<vmem>>, vector<16xi32>,
    %get3A_132 = vector.shape_cast %get3A_131 : vector<16xi32> to vector<16xi32>
    %mul3A_133 = arith.constant 21 : i32
    %mul3A_134 = vector.broadcast %mul3A_133 : i32 to vector<16xi32>
    %mul3A_135 = arith.muli %get3A_132, %mul3A_134 : vector<16xi32>
    %get3A_136 = arith.index_cast %multiple_of3A_129 : i32 to index
    %get3A_137 = tpu.vector_load %arg8[%get3A_136] {strides = array<i32>} : memref<10000xi32, #tpu.memory_space<vmem>>, vector<16xi32>,
    %get3A_138 = vector.shape_cast %get3A_137 : vector<16xi32> to vector<16xi32>
    %mul3A_139 = arith.constant 3 : i32
    %mul3A_140 = vector.broadcast %mul3A_139 : i32 to vector<16xi32>
    %mul3A_141 = arith.muli %get3A_138, %mul3A_140 : vector<16xi32>
    %add3A_142 = arith.addi %mul3A_135, %mul3A_141 : vector<16xi32>
    %get3A_143 = arith.index_cast %multiple_of3A_129 : i32 to index
    %get3A_144 = tpu.vector_load %arg9[%get3A_143] {strides = array<i32>} : memref<10000xi32, #tpu.memory_space<vmem>>, vector<16xi32>,
    %get3A_145 = vector.shape_cast %get3A_144 : vector<16xi32> to vector<16xi32>
    %add3A_146 = arith.addi %add3A_142, %get3A_145 : vector<16xi32>
    %swap3A_147 = arith.index_cast %multiple_of3A_129 : i32 to index
    %swap3A_148 = tpu.vector_load %arg10[%swap3A_147] {strides = array<i32>} : memref<10000xi32, #tpu.memory_space<vmem>>, vector<16xi32>,
    %swap3A_149 = vector.shape_cast %swap3A_148 : vector<16xi32> to vector<16xi32>
    %swap3A_150 = vector.shape_cast %add3A_146 : vector<16xi32> to vector<16xi32>
    tpu.vector_store %arg10[%swap3A_147], %swap3A_150 {strides = array<i32>} : memref<10000xi32, #tpu.memory_space<vmem>>, vector<16xi32>,
    %multiple_of3A_151 = arith.constant 64 : i32
    %multiple_of3A_152 = tpu.assume_multiple %multiple_of3A_151, 8 : i32
    %get3A_153 = arith.index_cast %multiple_of3A_152 : i32 to index
    %get3A_154 = tpu.vector_load %arg7[%get3A_153] {strides = array<i32>} : memref<10000xi32, #tpu.memory_space<vmem>>, vector<16xi32>,
    %get3A_155 = vector.shape_cast %get3A_154 : vector<16xi32> to vector<16xi32>
    %mul3A_156 = arith.constant 21 : i32
    %mul3A_157 = vector.broadcast %mul3A_156 : i32 to vector<16xi32>
    %mul3A_158 = arith.muli %get3A_155, %mul3A_157 : vector<16xi32>
    %get3A_159 = arith.index_cast %multiple_of3A_152 : i32 to index
    %get3A_160 = tpu.vector_load %arg8[%get3A_159] {strides = array<i32>} : memref<10000xi32, #tpu.memory_space<vmem>>, vector<16xi32>,
    %get3A_161 = vector.shape_cast %get3A_160 : vector<16xi32> to vector<16xi32>
    %mul3A_162 = arith.constant 3 : i32
    %mul3A_163 = vector.broadcast %mul3A_162 : i32 to vector<16xi32>
    %mul3A_164 = arith.muli %get3A_161, %mul3A_163 : vector<16xi32>
    %add3A_165 = arith.addi %mul3A_158, %mul3A_164 : vector<16xi32>
    %get3A_166 = arith.index_cast %multiple_of3A_152 : i32 to index
    %get3A_167 = tpu.vector_load %arg9[%get3A_166] {strides = array<i32>} : memref<10000xi32, #tpu.memory_space<vmem>>, vector<16xi32>,
    %get3A_168 = vector.shape_cast %get3A_167 : vector<16xi32> to vector<16xi32>
    %add3A_169 = arith.addi %add3A_165, %get3A_168 : vector<16xi32>
    %swap3A_170 = arith.index_cast %multiple_of3A_152 : i32 to index
    %swap3A_171 = tpu.vector_load %arg10[%swap3A_170] {strides = array<i32>} : memref<10000xi32, #tpu.memory_space<vmem>>, vector<16xi32>,
    %swap3A_172 = vector.shape_cast %swap3A_171 : vector<16xi32> to vector<16xi32>
    %swap3A_173 = vector.shape_cast %add3A_169 : vector<16xi32> to vector<16xi32>
    tpu.vector_store %arg10[%swap3A_170], %swap3A_173 {strides = array<i32>} : memref<10000xi32, #tpu.memory_space<vmem>>, vector<16xi32>,
    %multiple_of3A_174 = arith.constant 0 : i32
    %multiple_of3A_175 = tpu.assume_multiple %multiple_of3A_174, 8 : i32
    %dma_start3A_176 = tpu.memref_slice %arg10[%multiple_of3A_175] : memref<10000xi32, #tpu.memory_space<vmem>> -> memref<80xi32, #tpu.memory_space<vmem>>
    %dma_start3A_177 = arith.constant 0 : i32
    %dma_start3A_178 = arith.constant 0 : i32
    %dma_start3A_179 = tpu.memref_slice %arg16[%dma_start3A_177, %dma_start3A_178] : memref<128x128xf32, #tpu.memory_space<vmem_shared>> -> memref<128x128xf32, #tpu.memory_space<vmem_shared>>
    tpu.enqueue_indirect_dma source(%dma_start3A_179 : memref<128x128xf32, #tpu.memory_space<vmem_shared>>) target(%arg11 : memref<80x128xf32, #tpu.memory_space<vmem>>) offsets(%dma_start3A_176 : memref<80xi32, #tpu.memory_space<vmem>>) semaphore(%arg19 : memref<!tpu.dma_semaphore, #tpu.memory_space<semaphore_mem>>)
    %multiple_of3A_180 = arith.constant 80 : i32
    %multiple_of3A_181 = tpu.assume_multiple %multiple_of3A_180, 8 : i32
    %get3A_182 = arith.index_cast %multiple_of3A_181 : i32 to index
    %get3A_183 = tpu.vector_load %arg7[%get3A_182] {strides = array<i32>} : memref<10000xi32, #tpu.memory_space<vmem>>, vector<16xi32>,
    %get3A_184 = vector.shape_cast %get3A_183 : vector<16xi32> to vector<16xi32>
    %mul3A_185 = arith.constant 21 : i32
    %mul3A_186 = vector.broadcast %mul3A_185 : i32 to vector<16xi32>
    %mul3A_187 = arith.muli %get3A_184, %mul3A_186 : vector<16xi32>
    %get3A_188 = arith.index_cast %multiple_of3A_181 : i32 to index
    %get3A_189 = tpu.vector_load %arg8[%get3A_188] {strides = array<i32>} : memref<10000xi32, #tpu.memory_space<vmem>>, vector<16xi32>,
    %get3A_190 = vector.shape_cast %get3A_189 : vector<16xi32> to vector<16xi32>
    %mul3A_191 = arith.constant 3 : i32
    %mul3A_192 = vector.broadcast %mul3A_191 : i32 to vector<16xi32>
    %mul3A_193 = arith.muli %get3A_190, %mul3A_192 : vector<16xi32>
    %add3A_194 = arith.addi %mul3A_187, %mul3A_193 : vector<16xi32>
    %get3A_195 = arith.index_cast %multiple_of3A_181 : i32 to index
    %get3A_196 = tpu.vector_load %arg9[%get3A_195] {strides = array<i32>} : memref<10000xi32, #tpu.memory_space<vmem>>, vector<16xi32>,
    %get3A_197 = vector.shape_cast %get3A_196 : vector<16xi32> to vector<16xi32>
    %add3A_198 = arith.addi %add3A_194, %get3A_197 : vector<16xi32>
    %swap3A_199 = arith.index_cast %multiple_of3A_181 : i32 to index
    %swap3A_200 = tpu.vector_load %arg10[%swap3A_199] {strides = array<i32>} : memref<10000xi32, #tpu.memory_space<vmem>>, vector<16xi32>,
    %swap3A_201 = vector.shape_cast %swap3A_200 : vector<16xi32> to vector<16xi32>
    %swap3A_202 = vector.shape_cast %add3A_198 : vector<16xi32> to vector<16xi32>
    tpu.vector_store %arg10[%swap3A_199], %swap3A_202 {strides = array<i32>} : memref<10000xi32, #tpu.memory_space<vmem>>, vector<16xi32>,
    %multiple_of3A_203 = arith.constant 96 : i32
    %multiple_of3A_204 = tpu.assume_multiple %multiple_of3A_203, 8 : i32
    %get3A_205 = arith.index_cast %multiple_of3A_204 : i32 to index
    %get3A_206 = tpu.vector_load %arg7[%get3A_205] {strides = array<i32>} : memref<10000xi32, #tpu.memory_space<vmem>>, vector<16xi32>,
    %get3A_207 = vector.shape_cast %get3A_206 : vector<16xi32> to vector<16xi32>
    %mul3A_208 = arith.constant 21 : i32
    %mul3A_209 = vector.broadcast %mul3A_208 : i32 to vector<16xi32>
    %mul3A_210 = arith.muli %get3A_207, %mul3A_209 : vector<16xi32>
    %get3A_211 = arith.index_cast %multiple_of3A_204 : i32 to index
    %get3A_212 = tpu.vector_load %arg8[%get3A_211] {strides = array<i32>} : memref<10000xi32, #tpu.memory_space<vmem>>, vector<16xi32>,
    %get3A_213 = vector.shape_cast %get3A_212 : vector<16xi32> to vector<16xi32>
    %mul3A_214 = arith.constant 3 : i32
    %mul3A_215 = vector.broadcast %mul3A_214 : i32 to vector<16xi32>
    %mul3A_216 = arith.muli %get3A_213, %mul3A_215 : vector<16xi32>
    %add3A_217 = arith.addi %mul3A_210, %mul3A_216 : vector<16xi32>
    %get3A_218 = arith.index_cast %multiple_of3A_204 : i32 to index
    %get3A_219 = tpu.vector_load %arg9[%get3A_218] {strides = array<i32>} : memref<10000xi32, #tpu.memory_space<vmem>>, vector<16xi32>,
    %get3A_220 = vector.shape_cast %get3A_219 : vector<16xi32> to vector<16xi32>
    %add3A_221 = arith.addi %add3A_217, %get3A_220 : vector<16xi32>
    %swap3A_222 = arith.index_cast %multiple_of3A_204 : i32 to index
    %swap3A_223 = tpu.vector_load %arg10[%swap3A_222] {strides = array<i32>} : memref<10000xi32, #tpu.memory_space<vmem>>, vector<16xi32>,
    %swap3A_224 = vector.shape_cast %swap3A_223 : vector<16xi32> to vector<16xi32>
    %swap3A_225 = vector.shape_cast %add3A_221 : vector<16xi32> to vector<16xi32>
    tpu.vector_store %arg10[%swap3A_222], %swap3A_225 {strides = array<i32>} : memref<10000xi32, #tpu.memory_space<vmem>>, vector<16xi32>,
    %multiple_of3A_226 = arith.constant 112 : i32
    %multiple_of3A_227 = tpu.assume_multiple %multiple_of3A_226, 8 : i32
    %get3A_228 = arith.index_cast %multiple_of3A_227 : i32 to index
    %get3A_229 = tpu.vector_load %arg7[%get3A_228] {strides = array<i32>} : memref<10000xi32, #tpu.memory_space<vmem>>, vector<16xi32>,
    %get3A_230 = vector.shape_cast %get3A_229 : vector<16xi32> to vector<16xi32>
    %mul3A_231 = arith.constant 21 : i32
    %mul3A_232 = vector.broadcast %mul3A_231 : i32 to vector<16xi32>
    %mul3A_233 = arith.muli %get3A_230, %mul3A_232 : vector<16xi32>
    %get3A_234 = arith.index_cast %multiple_of3A_227 : i32 to index
    %get3A_235 = tpu.vector_load %arg8[%get3A_234] {strides = array<i32>} : memref<10000xi32, #tpu.memory_space<vmem>>, vector<16xi32>,
    %get3A_236 = vector.shape_cast %get3A_235 : vector<16xi32> to vector<16xi32>
    %mul3A_237 = arith.constant 3 : i32
    %mul3A_238 = vector.broadcast %mul3A_237 : i32 to vector<16xi32>
    %mul3A_239 = arith.muli %get3A_236, %mul3A_238 : vector<16xi32>
    %add3A_240 = arith.addi %mul3A_233, %mul3A_239 : vector<16xi32>
    %get3A_241 = arith.index_cast %multiple_of3A_227 : i32 to index
    %get3A_242 = tpu.vector_load %arg9[%get3A_241] {strides = array<i32>} : memref<10000xi32, #tpu.memory_space<vmem>>, vector<16xi32>,
    %get3A_243 = vector.shape_cast %get3A_242 : vector<16xi32> to vector<16xi32>
    %add3A_244 = arith.addi %add3A_240, %get3A_243 : vector<16xi32>
    %swap3A_245 = arith.index_cast %multiple_of3A_227 : i32 to index
    %swap3A_246 = tpu.vector_load %arg10[%swap3A_245] {strides = array<i32>} : memref<10000xi32, #tpu.memory_space<vmem>>, vector<16xi32>,
    %swap3A_247 = vector.shape_cast %swap3A_246 : vector<16xi32> to vector<16xi32>
    %swap3A_248 = vector.shape_cast %add3A_244 : vector<16xi32> to vector<16xi32>
    tpu.vector_store %arg10[%swap3A_245], %swap3A_248 {strides = array<i32>} : memref<10000xi32, #tpu.memory_space<vmem>>, vector<16xi32>,
    %multiple_of3A_249 = arith.constant 128 : i32
    %multiple_of3A_250 = tpu.assume_multiple %multiple_of3A_249, 8 : i32
    %get3A_251 = arith.index_cast %multiple_of3A_250 : i32 to index
    %get3A_252 = tpu.vector_load %arg7[%get3A_251] {strides = array<i32>} : memref<10000xi32, #tpu.memory_space<vmem>>, vector<16xi32>,
    %get3A_253 = vector.shape_cast %get3A_252 : vector<16xi32> to vector<16xi32>
    %mul3A_254 = arith.constant 21 : i32
    %mul3A_255 = vector.broadcast %mul3A_254 : i32 to vector<16xi32>
    %mul3A_256 = arith.muli %get3A_253, %mul3A_255 : vector<16xi32>
    %get3A_257 = arith.index_cast %multiple_of3A_250 : i32 to index
    %get3A_258 = tpu.vector_load %arg8[%get3A_257] {strides = array<i32>} : memref<10000xi32, #tpu.memory_space<vmem>>, vector<16xi32>,
    %get3A_259 = vector.shape_cast %get3A_258 : vector<16xi32> to vector<16xi32>
    %mul3A_260 = arith.constant 3 : i32
    %mul3A_261 = vector.broadcast %mul3A_260 : i32 to vector<16xi32>
    %mul3A_262 = arith.muli %get3A_259, %mul3A_261 : vector<16xi32>
    %add3A_263 = arith.addi %mul3A_256, %mul3A_262 : vector<16xi32>
    %get3A_264 = arith.index_cast %multiple_of3A_250 : i32 to index
    %get3A_265 = tpu.vector_load %arg9[%get3A_264] {strides = array<i32>} : memref<10000xi32, #tpu.memory_space<vmem>>, vector<16xi32>,
    %get3A_266 = vector.shape_cast %get3A_265 : vector<16xi32> to vector<16xi32>
    %add3A_267 = arith.addi %add3A_263, %get3A_266 : vector<16xi32>
    %swap3A_268 = arith.index_cast %multiple_of3A_250 : i32 to index
    %swap3A_269 = tpu.vector_load %arg10[%swap3A_268] {strides = array<i32>} : memref<10000xi32, #tpu.memory_space<vmem>>, vector<16xi32>,
    %swap3A_270 = vector.shape_cast %swap3A_269 : vector<16xi32> to vector<16xi32>
    %swap3A_271 = vector.shape_cast %add3A_267 : vector<16xi32> to vector<16xi32>
    tpu.vector_store %arg10[%swap3A_268], %swap3A_271 {strides = array<i32>} : memref<10000xi32, #tpu.memory_space<vmem>>, vector<16xi32>,
    %multiple_of3A_272 = arith.constant 144 : i32
    %multiple_of3A_273 = tpu.assume_multiple %multiple_of3A_272, 8 : i32
    %get3A_274 = arith.index_cast %multiple_of3A_273 : i32 to index
    %get3A_275 = tpu.vector_load %arg7[%get3A_274] {strides = array<i32>} : memref<10000xi32, #tpu.memory_space<vmem>>, vector<16xi32>,
    %get3A_276 = vector.shape_cast %get3A_275 : vector<16xi32> to vector<16xi32>
    %mul3A_277 = arith.constant 21 : i32
    %mul3A_278 = vector.broadcast %mul3A_277 : i32 to vector<16xi32>
    %mul3A_279 = arith.muli %get3A_276, %mul3A_278 : vector<16xi32>
    %get3A_280 = arith.index_cast %multiple_of3A_273 : i32 to index
    %get3A_281 = tpu.vector_load %arg8[%get3A_280] {strides = array<i32>} : memref<10000xi32, #tpu.memory_space<vmem>>, vector<16xi32>,
    %get3A_282 = vector.shape_cast %get3A_281 : vector<16xi32> to vector<16xi32>
    %mul3A_283 = arith.constant 3 : i32
    %mul3A_284 = vector.broadcast %mul3A_283 : i32 to vector<16xi32>
    %mul3A_285 = arith.muli %get3A_282, %mul3A_284 : vector<16xi32>
    %add3A_286 = arith.addi %mul3A_279, %mul3A_285 : vector<16xi32>
    %get3A_287 = arith.index_cast %multiple_of3A_273 : i32 to index
    %get3A_288 = tpu.vector_load %arg9[%get3A_287] {strides = array<i32>} : memref<10000xi32, #tpu.memory_space<vmem>>, vector<16xi32>,
    %get3A_289 = vector.shape_cast %get3A_288 : vector<16xi32> to vector<16xi32>
    %add3A_290 = arith.addi %add3A_286, %get3A_289 : vector<16xi32>
    %swap3A_291 = arith.index_cast %multiple_of3A_273 : i32 to index
    %swap3A_292 = tpu.vector_load %arg10[%swap3A_291] {strides = array<i32>} : memref<10000xi32, #tpu.memory_space<vmem>>, vector<16xi32>,
    %swap3A_293 = vector.shape_cast %swap3A_292 : vector<16xi32> to vector<16xi32>
    %swap3A_294 = vector.shape_cast %add3A_290 : vector<16xi32> to vector<16xi32>
    tpu.vector_store %arg10[%swap3A_291], %swap3A_294 {strides = array<i32>} : memref<10000xi32, #tpu.memory_space<vmem>>, vector<16xi32>,
    %multiple_of3A_295 = arith.constant 80 : i32
    %multiple_of3A_296 = tpu.assume_multiple %multiple_of3A_295, 8 : i32
    %dma_start3A_297 = tpu.memref_slice %arg10[%multiple_of3A_296] : memref<10000xi32, #tpu.memory_space<vmem>> -> memref<80xi32, #tpu.memory_space<vmem>>
    %dma_start3A_298 = arith.constant 0 : i32
    %dma_start3A_299 = arith.constant 0 : i32
    %dma_start3A_300 = tpu.memref_slice %arg16[%dma_start3A_298, %dma_start3A_299] : memref<128x128xf32, #tpu.memory_space<vmem_shared>> -> memref<128x128xf32, #tpu.memory_space<vmem_shared>>
    tpu.enqueue_indirect_dma source(%dma_start3A_300 : memref<128x128xf32, #tpu.memory_space<vmem_shared>>) target(%arg12 : memref<80x128xf32, #tpu.memory_space<vmem>>) offsets(%dma_start3A_297 : memref<80xi32, #tpu.memory_space<vmem>>) semaphore(%arg20 : memref<!tpu.dma_semaphore, #tpu.memory_space<semaphore_mem>>)
    %multiple_of3A_301 = arith.constant 160 : i32
    %multiple_of3A_302 = tpu.assume_multiple %multiple_of3A_301, 8 : i32
    %get3A_303 = arith.index_cast %multiple_of3A_302 : i32 to index
    %get3A_304 = tpu.vector_load %arg7[%get3A_303] {strides = array<i32>} : memref<10000xi32, #tpu.memory_space<vmem>>, vector<16xi32>,
    %get3A_305 = vector.shape_cast %get3A_304 : vector<16xi32> to vector<16xi32>
    %mul3A_306 = arith.constant 21 : i32
    %mul3A_307 = vector.broadcast %mul3A_306 : i32 to vector<16xi32>
    %mul3A_308 = arith.muli %get3A_305, %mul3A_307 : vector<16xi32>
    %get3A_309 = arith.index_cast %multiple_of3A_302 : i32 to index
    %get3A_310 = tpu.vector_load %arg8[%get3A_309] {strides = array<i32>} : memref<10000xi32, #tpu.memory_space<vmem>>, vector<16xi32>,
    %get3A_311 = vector.shape_cast %get3A_310 : vector<16xi32> to vector<16xi32>
    %mul3A_312 = arith.constant 3 : i32
    %mul3A_313 = vector.broadcast %mul3A_312 : i32 to vector<16xi32>
    %mul3A_314 = arith.muli %get3A_311, %mul3A_313 : vector<16xi32>
    %add3A_315 = arith.addi %mul3A_308, %mul3A_314 : vector<16xi32>
    %get3A_316 = arith.index_cast %multiple_of3A_302 : i32 to index
    %get3A_317 = tpu.vector_load %arg9[%get3A_316] {strides = array<i32>} : memref<10000xi32, #tpu.memory_space<vmem>>, vector<16xi32>,
    %get3A_318 = vector.shape_cast %get3A_317 : vector<16xi32> to vector<16xi32>
    %add3A_319 = arith.addi %add3A_315, %get3A_318 : vector<16xi32>
    %swap3A_320 = arith.index_cast %multiple_of3A_302 : i32 to index
    %swap3A_321 = tpu.vector_load %arg10[%swap3A_320] {strides = array<i32>} : memref<10000xi32, #tpu.memory_space<vmem>>, vector<16xi32>,
    %swap3A_322 = vector.shape_cast %swap3A_321 : vector<16xi32> to vector<16xi32>
    %swap3A_323 = vector.shape_cast %add3A_319 : vector<16xi32> to vector<16xi32>
    tpu.vector_store %arg10[%swap3A_320], %swap3A_323 {strides = array<i32>} : memref<10000xi32, #tpu.memory_space<vmem>>, vector<16xi32>,
    %multiple_of3A_324 = arith.constant 176 : i32
    %multiple_of3A_325 = tpu.assume_multiple %multiple_of3A_324, 8 : i32
    %get3A_326 = arith.index_cast %multiple_of3A_325 : i32 to index
    %get3A_327 = tpu.vector_load %arg7[%get3A_326] {strides = array<i32>} : memref<10000xi32, #tpu.memory_space<vmem>>, vector<16xi32>,
    %get3A_328 = vector.shape_cast %get3A_327 : vector<16xi32> to vector<16xi32>
    %mul3A_329 = arith.constant 21 : i32
    %mul3A_330 = vector.broadcast %mul3A_329 : i32 to vector<16xi32>
    %mul3A_331 = arith.muli %get3A_328, %mul3A_330 : vector<16xi32>
    %get3A_332 = arith.index_cast %multiple_of3A_325 : i32 to index
    %get3A_333 = tpu.vector_load %arg8[%get3A_332] {strides = array<i32>} : memref<10000xi32, #tpu.memory_space<vmem>>, vector<16xi32>,
    %get3A_334 = vector.shape_cast %get3A_333 : vector<16xi32> to vector<16xi32>
    %mul3A_335 = arith.constant 3 : i32
    %mul3A_336 = vector.broadcast %mul3A_335 : i32 to vector<16xi32>
    %mul3A_337 = arith.muli %get3A_334, %mul3A_336 : vector<16xi32>
    %add3A_338 = arith.addi %mul3A_331, %mul3A_337 : vector<16xi32>
    %get3A_339 = arith.index_cast %multiple_of3A_325 : i32 to index
    %get3A_340 = tpu.vector_load %arg9[%get3A_339] {strides = array<i32>} : memref<10000xi32, #tpu.memory_space<vmem>>, vector<16xi32>,
    %get3A_341 = vector.shape_cast %get3A_340 : vector<16xi32> to vector<16xi32>
    %add3A_342 = arith.addi %add3A_338, %get3A_341 : vector<16xi32>
    %swap3A_343 = arith.index_cast %multiple_of3A_325 : i32 to index
    %swap3A_344 = tpu.vector_load %arg10[%swap3A_343] {strides = array<i32>} : memref<10000xi32, #tpu.memory_space<vmem>>, vector<16xi32>,
    %swap3A_345 = vector.shape_cast %swap3A_344 : vector<16xi32> to vector<16xi32>
    %swap3A_346 = vector.shape_cast %add3A_342 : vector<16xi32> to vector<16xi32>
    tpu.vector_store %arg10[%swap3A_343], %swap3A_346 {strides = array<i32>} : memref<10000xi32, #tpu.memory_space<vmem>>, vector<16xi32>,
    %multiple_of3A_347 = arith.constant 192 : i32
    %multiple_of3A_348 = tpu.assume_multiple %multiple_of3A_347, 8 : i32
    %get3A_349 = arith.index_cast %multiple_of3A_348 : i32 to index
    %get3A_350 = tpu.vector_load %arg7[%get3A_349] {strides = array<i32>} : memref<10000xi32, #tpu.memory_space<vmem>>, vector<16xi32>,
    %get3A_351 = vector.shape_cast %get3A_350 : vector<16xi32> to vector<16xi32>
    %mul3A_352 = arith.constant 21 : i32
    %mul3A_353 = vector.broadcast %mul3A_352 : i32 to vector<16xi32>
    %mul3A_354 = arith.muli %get3A_351, %mul3A_353 : vector<16xi32>
    %get3A_355 = arith.index_cast %multiple_of3A_348 : i32 to index
    %get3A_356 = tpu.vector_load %arg8[%get3A_355] {strides = array<i32>} : memref<10000xi32, #tpu.memory_space<vmem>>, vector<16xi32>,
    %get3A_357 = vector.shape_cast %get3A_356 : vector<16xi32> to vector<16xi32>
    %mul3A_358 = arith.constant 3 : i32
    %mul3A_359 = vector.broadcast %mul3A_358 : i32 to vector<16xi32>
    %mul3A_360 = arith.muli %get3A_357, %mul3A_359 : vector<16xi32>
    %add3A_361 = arith.addi %mul3A_354, %mul3A_360 : vector<16xi32>
    %get3A_362 = arith.index_cast %multiple_of3A_348 : i32 to index
    %get3A_363 = tpu.vector_load %arg9[%get3A_362] {strides = array<i32>} : memref<10000xi32, #tpu.memory_space<vmem>>, vector<16xi32>,
    %get3A_364 = vector.shape_cast %get3A_363 : vector<16xi32> to vector<16xi32>
    %add3A_365 = arith.addi %add3A_361, %get3A_364 : vector<16xi32>
    %swap3A_366 = arith.index_cast %multiple_of3A_348 : i32 to index
    %swap3A_367 = tpu.vector_load %arg10[%swap3A_366] {strides = array<i32>} : memref<10000xi32, #tpu.memory_space<vmem>>, vector<16xi32>,
    %swap3A_368 = vector.shape_cast %swap3A_367 : vector<16xi32> to vector<16xi32>
    %swap3A_369 = vector.shape_cast %add3A_365 : vector<16xi32> to vector<16xi32>
    tpu.vector_store %arg10[%swap3A_366], %swap3A_369 {strides = array<i32>} : memref<10000xi32, #tpu.memory_space<vmem>>, vector<16xi32>,
    %multiple_of3A_370 = arith.constant 208 : i32
    %multiple_of3A_371 = tpu.assume_multiple %multiple_of3A_370, 8 : i32
    %get3A_372 = arith.index_cast %multiple_of3A_371 : i32 to index
    %get3A_373 = tpu.vector_load %arg7[%get3A_372] {strides = array<i32>} : memref<10000xi32, #tpu.memory_space<vmem>>, vector<16xi32>,
    %get3A_374 = vector.shape_cast %get3A_373 : vector<16xi32> to vector<16xi32>
    %mul3A_375 = arith.constant 21 : i32
    %mul3A_376 = vector.broadcast %mul3A_375 : i32 to vector<16xi32>
    %mul3A_377 = arith.muli %get3A_374, %mul3A_376 : vector<16xi32>
    %get3A_378 = arith.index_cast %multiple_of3A_371 : i32 to index
    %get3A_379 = tpu.vector_load %arg8[%get3A_378] {strides = array<i32>} : memref<10000xi32, #tpu.memory_space<vmem>>, vector<16xi32>,
    %get3A_380 = vector.shape_cast %get3A_379 : vector<16xi32> to vector<16xi32>
    %mul3A_381 = arith.constant 3 : i32
    %mul3A_382 = vector.broadcast %mul3A_381 : i32 to vector<16xi32>
    %mul3A_383 = arith.muli %get3A_380, %mul3A_382 : vector<16xi32>
    %add3A_384 = arith.addi %mul3A_377, %mul3A_383 : vector<16xi32>
    %get3A_385 = arith.index_cast %multiple_of3A_371 : i32 to index
    %get3A_386 = tpu.vector_load %arg9[%get3A_385] {strides = array<i32>} : memref<10000xi32, #tpu.memory_space<vmem>>, vector<16xi32>,
    %get3A_387 = vector.shape_cast %get3A_386 : vector<16xi32> to vector<16xi32>
    %add3A_388 = arith.addi %add3A_384, %get3A_387 : vector<16xi32>
    %swap3A_389 = arith.index_cast %multiple_of3A_371 : i32 to index
    %swap3A_390 = tpu.vector_load %arg10[%swap3A_389] {strides = array<i32>} : memref<10000xi32, #tpu.memory_space<vmem>>, vector<16xi32>,
    %swap3A_391 = vector.shape_cast %swap3A_390 : vector<16xi32> to vector<16xi32>
    %swap3A_392 = vector.shape_cast %add3A_388 : vector<16xi32> to vector<16xi32>
    tpu.vector_store %arg10[%swap3A_389], %swap3A_392 {strides = array<i32>} : memref<10000xi32, #tpu.memory_space<vmem>>, vector<16xi32>,
    %multiple_of3A_393 = arith.constant 224 : i32
    %multiple_of3A_394 = tpu.assume_multiple %multiple_of3A_393, 8 : i32
    %get3A_395 = arith.index_cast %multiple_of3A_394 : i32 to index
    %get3A_396 = tpu.vector_load %arg7[%get3A_395] {strides = array<i32>} : memref<10000xi32, #tpu.memory_space<vmem>>, vector<16xi32>,
    %get3A_397 = vector.shape_cast %get3A_396 : vector<16xi32> to vector<16xi32>
    %mul3A_398 = arith.constant 21 : i32
    %mul3A_399 = vector.broadcast %mul3A_398 : i32 to vector<16xi32>
    %mul3A_400 = arith.muli %get3A_397, %mul3A_399 : vector<16xi32>
    %get3A_401 = arith.index_cast %multiple_of3A_394 : i32 to index
    %get3A_402 = tpu.vector_load %arg8[%get3A_401] {strides = array<i32>} : memref<10000xi32, #tpu.memory_space<vmem>>, vector<16xi32>,
    %get3A_403 = vector.shape_cast %get3A_402 : vector<16xi32> to vector<16xi32>
    %mul3A_404 = arith.constant 3 : i32
    %mul3A_405 = vector.broadcast %mul3A_404 : i32 to vector<16xi32>
    %mul3A_406 = arith.muli %get3A_403, %mul3A_405 : vector<16xi32>
    %add3A_407 = arith.addi %mul3A_400, %mul3A_406 : vector<16xi32>
    %get3A_408 = arith.index_cast %multiple_of3A_394 : i32 to index
    %get3A_409 = tpu.vector_load %arg9[%get3A_408] {strides = array<i32>} : memref<10000xi32, #tpu.memory_space<vmem>>, vector<16xi32>,
    %get3A_410 = vector.shape_cast %get3A_409 : vector<16xi32> to vector<16xi32>
    %add3A_411 = arith.addi %add3A_407, %get3A_410 : vector<16xi32>
    %swap3A_412 = arith.index_cast %multiple_of3A_394 : i32 to index
    %swap3A_413 = tpu.vector_load %arg10[%swap3A_412] {strides = array<i32>} : memref<10000xi32, #tpu.memory_space<vmem>>, vector<16xi32>,
    %swap3A_414 = vector.shape_cast %swap3A_413 : vector<16xi32> to vector<16xi32>
    %swap3A_415 = vector.shape_cast %add3A_411 : vector<16xi32> to vector<16xi32>
    tpu.vector_store %arg10[%swap3A_412], %swap3A_415 {strides = array<i32>} : memref<10000xi32, #tpu.memory_space<vmem>>, vector<16xi32>,
    %multiple_of3A_416 = arith.constant 160 : i32
    %multiple_of3A_417 = tpu.assume_multiple %multiple_of3A_416, 8 : i32
    %dma_start3A_418 = tpu.memref_slice %arg10[%multiple_of3A_417] : memref<10000xi32, #tpu.memory_space<vmem>> -> memref<80xi32, #tpu.memory_space<vmem>>
    %dma_start3A_419 = arith.constant 0 : i32
    %dma_start3A_420 = arith.constant 0 : i32
    %dma_start3A_421 = tpu.memref_slice %arg16[%dma_start3A_419, %dma_start3A_420] : memref<128x128xf32, #tpu.memory_space<vmem_shared>> -> memref<128x128xf32, #tpu.memory_space<vmem_shared>>
    tpu.enqueue_indirect_dma source(%dma_start3A_421 : memref<128x128xf32, #tpu.memory_space<vmem_shared>>) target(%arg13 : memref<80x128xf32, #tpu.memory_space<vmem>>) offsets(%dma_start3A_418 : memref<80xi32, #tpu.memory_space<vmem>>) semaphore(%arg21 : memref<!tpu.dma_semaphore, #tpu.memory_space<semaphore_mem>>)
    %multiple_of3A_422 = arith.constant 0 : i32
    %multiple_of3A_423 = tpu.assume_multiple %multiple_of3A_422, 8 : i32
    %dma_wait3A_424 = tpu.memref_slice %arg10[%multiple_of3A_423] : memref<10000xi32, #tpu.memory_space<vmem>> -> memref<80xi32, #tpu.memory_space<vmem>>
    %dma_wait3A_425 = arith.constant 0 : i32
    %dma_wait3A_426 = arith.constant 0 : i32
    %dma_wait3A_427 = tpu.memref_slice %arg16[%dma_wait3A_425, %dma_wait3A_426] : memref<128x128xf32, #tpu.memory_space<vmem_shared>> -> memref<128x128xf32, #tpu.memory_space<vmem_shared>>
    tpu.wait_indirect_dma semaphore(%arg19 : memref<!tpu.dma_semaphore, #tpu.memory_space<semaphore_mem>>) src(%dma_wait3A_427 : memref<128x128xf32, #tpu.memory_space<vmem_shared>>) dst(%arg11 : memref<80x128xf32, #tpu.memory_space<vmem>>)
    %add3A_428 = arith.constant 0 : i32
    %add3A_429 = arith.addi %multiple_of3A, %add3A_428 : i32
    %multiple_of3A_430 = tpu.assume_multiple %add3A_429, 8 : i32
    %dma_start3A_431 = arith.constant 0 : i32
    %dma_start3A_432 = tpu.memref_slice %arg6[%multiple_of3A_430, %dma_start3A_431] : memref<320000x128xf32, #tpu.memory_space<hbm>> -> memref<80x128xf32, #tpu.memory_space<hbm>>
    %dma_start3A_433 = arith.constant 0 : i32
    %dma_start3A_434 = tpu.memref_slice %arg6[%multiple_of3A_430, %dma_start3A_433] : memref<320000x128xf32, #tpu.memory_space<hbm>> -> memref<80x128xf32, #tpu.memory_space<hbm>>
    tpu.enqueue_dma source(%arg11 : memref<80x128xf32, #tpu.memory_space<vmem>>) target(%dma_start3A_434 : memref<80x128xf32, #tpu.memory_space<hbm>>) target_semaphore(%arg24 : memref<!tpu.dma_semaphore, #tpu.memory_space<semaphore_mem>>)
    %multiple_of3A_435 = arith.constant 240 : i32
    %multiple_of3A_436 = tpu.assume_multiple %multiple_of3A_435, 8 : i32
    %get3A_437 = arith.index_cast %multiple_of3A_436 : i32 to index
    %get3A_438 = tpu.vector_load %arg7[%get3A_437] {strides = array<i32>} : memref<10000xi32, #tpu.memory_space<vmem>>, vector<16xi32>,
    %get3A_439 = vector.shape_cast %get3A_438 : vector<16xi32> to vector<16xi32>
    %mul3A_440 = arith.constant 21 : i32
    %mul3A_441 = vector.broadcast %mul3A_440 : i32 to vector<16xi32>
    %mul3A_442 = arith.muli %get3A_439, %mul3A_441 : vector<16xi32>
    %get3A_443 = arith.index_cast %multiple_of3A_436 : i32 to index
    %get3A_444 = tpu.vector_load %arg8[%get3A_443] {strides = array<i32>} : memref<10000xi32, #tpu.memory_space<vmem>>, vector<16xi32>,
    %get3A_445 = vector.shape_cast %get3A_444 : vector<16xi32> to vector<16xi32>
    %mul3A_446 = arith.constant 3 : i32
    %mul3A_447 = vector.broadcast %mul3A_446 : i32 to vector<16xi32>
    %mul3A_448 = arith.muli %get3A_445, %mul3A_447 : vector<16xi32>
    %add3A_449 = arith.addi %mul3A_442, %mul3A_448 : vector<16xi32>
    %get3A_450 = arith.index_cast %multiple_of3A_436 : i32 to index
    %get3A_451 = tpu.vector_load %arg9[%get3A_450] {strides = array<i32>} : memref<10000xi32, #tpu.memory_space<vmem>>, vector<16xi32>,
    %get3A_452 = vector.shape_cast %get3A_451 : vector<16xi32> to vector<16xi32>
    %add3A_453 = arith.addi %add3A_449, %get3A_452 : vector<16xi32>
    %swap3A_454 = arith.index_cast %multiple_of3A_436 : i32 to index
    %swap3A_455 = tpu.vector_load %arg10[%swap3A_454] {strides = array<i32>} : memref<10000xi32, #tpu.memory_space<vmem>>, vector<16xi32>,
    %swap3A_456 = vector.shape_cast %swap3A_455 : vector<16xi32> to vector<16xi32>
    %swap3A_457 = vector.shape_cast %add3A_453 : vector<16xi32> to vector<16xi32>
    tpu.vector_store %arg10[%swap3A_454], %swap3A_457 {strides = array<i32>} : memref<10000xi32, #tpu.memory_space<vmem>>, vector<16xi32>,
    %multiple_of3A_458 = arith.constant 256 : i32
    %multiple_of3A_459 = tpu.assume_multiple %multiple_of3A_458, 8 : i32
    %get3A_460 = arith.index_cast %multiple_of3A_459 : i32 to index
    %get3A_461 = tpu.vector_load %arg7[%get3A_460] {strides = array<i32>} : memref<10000xi32, #tpu.memory_space<vmem>>, vector<16xi32>,
    %get3A_462 = vector.shape_cast %get3A_461 : vector<16xi32> to vector<16xi32>
    %mul3A_463 = arith.constant 21 : i32
    %mul3A_464 = vector.broadcast %mul3A_463 : i32 to vector<16xi32>
    %mul3A_465 = arith.muli %get3A_462, %mul3A_464 : vector<16xi32>
    %get3A_466 = arith.index_cast %multiple_of3A_459 : i32 to index
    %get3A_467 = tpu.vector_load %arg8[%get3A_466] {strides = array<i32>} : memref<10000xi32, #tpu.memory_space<vmem>>, vector<16xi32>,
    %get3A_468 = vector.shape_cast %get3A_467 : vector<16xi32> to vector<16xi32>
    %mul3A_469 = arith.constant 3 : i32
    %mul3A_470 = vector.broadcast %mul3A_469 : i32 to vector<16xi32>
    %mul3A_471 = arith.muli %get3A_468, %mul3A_470 : vector<16xi32>
    %add3A_472 = arith.addi %mul3A_465, %mul3A_471 : vector<16xi32>
    %get3A_473 = arith.index_cast %multiple_of3A_459 : i32 to index
    %get3A_474 = tpu.vector_load %arg9[%get3A_473] {strides = array<i32>} : memref<10000xi32, #tpu.memory_space<vmem>>, vector<16xi32>,
    %get3A_475 = vector.shape_cast %get3A_474 : vector<16xi32> to vector<16xi32>
    %add3A_476 = arith.addi %add3A_472, %get3A_475 : vector<16xi32>
    %swap3A_477 = arith.index_cast %multiple_of3A_459 : i32 to index
    %swap3A_478 = tpu.vector_load %arg10[%swap3A_477] {strides = array<i32>} : memref<10000xi32, #tpu.memory_space<vmem>>, vector<16xi32>,
    %swap3A_479 = vector.shape_cast %swap3A_478 : vector<16xi32> to vector<16xi32>
    %swap3A_480 = vector.shape_cast %add3A_476 : vector<16xi32> to vector<16xi32>
    tpu.vector_store %arg10[%swap3A_477], %swap3A_480 {strides = array<i32>} : memref<10000xi32, #tpu.memory_space<vmem>>, vector<16xi32>,
    %multiple_of3A_481 = arith.constant 272 : i32
    %multiple_of3A_482 = tpu.assume_multiple %multiple_of3A_481, 8 : i32
    %get3A_483 = arith.index_cast %multiple_of3A_482 : i32 to index
    %get3A_484 = tpu.vector_load %arg7[%get3A_483] {strides = array<i32>} : memref<10000xi32, #tpu.memory_space<vmem>>, vector<16xi32>,
    %get3A_485 = vector.shape_cast %get3A_484 : vector<16xi32> to vector<16xi32>
    %mul3A_486 = arith.constant 21 : i32
    %mul3A_487 = vector.broadcast %mul3A_486 : i32 to vector<16xi32>
    %mul3A_488 = arith.muli %get3A_485, %mul3A_487 : vector<16xi32>
    %get3A_489 = arith.index_cast %multiple_of3A_482 : i32 to index
    %get3A_490 = tpu.vector_load %arg8[%get3A_489] {strides = array<i32>} : memref<10000xi32, #tpu.memory_space<vmem>>, vector<16xi32>,
    %get3A_491 = vector.shape_cast %get3A_490 : vector<16xi32> to vector<16xi32>
    %mul3A_492 = arith.constant 3 : i32
    %mul3A_493 = vector.broadcast %mul3A_492 : i32 to vector<16xi32>
    %mul3A_494 = arith.muli %get3A_491, %mul3A_493 : vector<16xi32>
    %add3A_495 = arith.addi %mul3A_488, %mul3A_494 : vector<16xi32>
    %get3A_496 = arith.index_cast %multiple_of3A_482 : i32 to index
    %get3A_497 = tpu.vector_load %arg9[%get3A_496] {strides = array<i32>} : memref<10000xi32, #tpu.memory_space<vmem>>, vector<16xi32>,
    %get3A_498 = vector.shape_cast %get3A_497 : vector<16xi32> to vector<16xi32>
    %add3A_499 = arith.addi %add3A_495, %get3A_498 : vector<16xi32>
    %swap3A_500 = arith.index_cast %multiple_of3A_482 : i32 to index
    %swap3A_501 = tpu.vector_load %arg10[%swap3A_500] {strides = array<i32>} : memref<10000xi32, #tpu.memory_space<vmem>>, vector<16xi32>,
    %swap3A_502 = vector.shape_cast %swap3A_501 : vector<16xi32> to vector<16xi32>
    %swap3A_503 = vector.shape_cast %add3A_499 : vector<16xi32> to vector<16xi32>
    tpu.vector_store %arg10[%swap3A_500], %swap3A_503 {strides = array<i32>} : memref<10000xi32, #tpu.memory_space<vmem>>, vector<16xi32>,
    %multiple_of3A_504 = arith.constant 288 : i32
    %multiple_of3A_505 = tpu.assume_multiple %multiple_of3A_504, 8 : i32
    %get3A_506 = arith.index_cast %multiple_of3A_505 : i32 to index
    %get3A_507 = tpu.vector_load %arg7[%get3A_506] {strides = array<i32>} : memref<10000xi32, #tpu.memory_space<vmem>>, vector<16xi32>,
    %get3A_508 = vector.shape_cast %get3A_507 : vector<16xi32> to vector<16xi32>
    %mul3A_509 = arith.constant 21 : i32
    %mul3A_510 = vector.broadcast %mul3A_509 : i32 to vector<16xi32>
    %mul3A_511 = arith.muli %get3A_508, %mul3A_510 : vector<16xi32>
    %get3A_512 = arith.index_cast %multiple_of3A_505 : i32 to index
    %get3A_513 = tpu.vector_load %arg8[%get3A_512] {strides = array<i32>} : memref<10000xi32, #tpu.memory_space<vmem>>, vector<16xi32>,
    %get3A_514 = vector.shape_cast %get3A_513 : vector<16xi32> to vector<16xi32>
    %mul3A_515 = arith.constant 3 : i32
    %mul3A_516 = vector.broadcast %mul3A_515 : i32 to vector<16xi32>
    %mul3A_517 = arith.muli %get3A_514, %mul3A_516 : vector<16xi32>
    %add3A_518 = arith.addi %mul3A_511, %mul3A_517 : vector<16xi32>
    %get3A_519 = arith.index_cast %multiple_of3A_505 : i32 to index
    %get3A_520 = tpu.vector_load %arg9[%get3A_519] {strides = array<i32>} : memref<10000xi32, #tpu.memory_space<vmem>>, vector<16xi32>,
    %get3A_521 = vector.shape_cast %get3A_520 : vector<16xi32> to vector<16xi32>
    %add3A_522 = arith.addi %add3A_518, %get3A_521 : vector<16xi32>
    %swap3A_523 = arith.index_cast %multiple_of3A_505 : i32 to index
    %swap3A_524 = tpu.vector_load %arg10[%swap3A_523] {strides = array<i32>} : memref<10000xi32, #tpu.memory_space<vmem>>, vector<16xi32>,
    %swap3A_525 = vector.shape_cast %swap3A_524 : vector<16xi32> to vector<16xi32>
    %swap3A_526 = vector.shape_cast %add3A_522 : vector<16xi32> to vector<16xi32>
    tpu.vector_store %arg10[%swap3A_523], %swap3A_526 {strides = array<i32>} : memref<10000xi32, #tpu.memory_space<vmem>>, vector<16xi32>,
    %multiple_of3A_527 = arith.constant 304 : i32
    %multiple_of3A_528 = tpu.assume_multiple %multiple_of3A_527, 8 : i32
    %get3A_529 = arith.index_cast %multiple_of3A_528 : i32 to index
    %get3A_530 = tpu.vector_load %arg7[%get3A_529] {strides = array<i32>} : memref<10000xi32, #tpu.memory_space<vmem>>, vector<16xi32>,
    %get3A_531 = vector.shape_cast %get3A_530 : vector<16xi32> to vector<16xi32>
    %mul3A_532 = arith.constant 21 : i32
    %mul3A_533 = vector.broadcast %mul3A_532 : i32 to vector<16xi32>
    %mul3A_534 = arith.muli %get3A_531, %mul3A_533 : vector<16xi32>
    %get3A_535 = arith.index_cast %multiple_of3A_528 : i32 to index
    %get3A_536 = tpu.vector_load %arg8[%get3A_535] {strides = array<i32>} : memref<10000xi32, #tpu.memory_space<vmem>>, vector<16xi32>,
    %get3A_537 = vector.shape_cast %get3A_536 : vector<16xi32> to vector<16xi32>
    %mul3A_538 = arith.constant 3 : i32
    %mul3A_539 = vector.broadcast %mul3A_538 : i32 to vector<16xi32>
    %mul3A_540 = arith.muli %get3A_537, %mul3A_539 : vector<16xi32>
    %add3A_541 = arith.addi %mul3A_534, %mul3A_540 : vector<16xi32>
    %get3A_542 = arith.index_cast %multiple_of3A_528 : i32 to index
    %get3A_543 = tpu.vector_load %arg9[%get3A_542] {strides = array<i32>} : memref<10000xi32, #tpu.memory_space<vmem>>, vector<16xi32>,
    %get3A_544 = vector.shape_cast %get3A_543 : vector<16xi32> to vector<16xi32>
    %add3A_545 = arith.addi %add3A_541, %get3A_544 : vector<16xi32>
    %swap3A_546 = arith.index_cast %multiple_of3A_528 : i32 to index
    %swap3A_547 = tpu.vector_load %arg10[%swap3A_546] {strides = array<i32>} : memref<10000xi32, #tpu.memory_space<vmem>>, vector<16xi32>,
    %swap3A_548 = vector.shape_cast %swap3A_547 : vector<16xi32> to vector<16xi32>
    %swap3A_549 = vector.shape_cast %add3A_545 : vector<16xi32> to vector<16xi32>
    tpu.vector_store %arg10[%swap3A_546], %swap3A_549 {strides = array<i32>} : memref<10000xi32, #tpu.memory_space<vmem>>, vector<16xi32>,
    %multiple_of3A_550 = arith.constant 240 : i32
    %multiple_of3A_551 = tpu.assume_multiple %multiple_of3A_550, 8 : i32
    %dma_start3A_552 = tpu.memref_slice %arg10[%multiple_of3A_551] : memref<10000xi32, #tpu.memory_space<vmem>> -> memref<80xi32, #tpu.memory_space<vmem>>
    %dma_start3A_553 = arith.constant 0 : i32
    %dma_start3A_554 = arith.constant 0 : i32
    %dma_start3A_555 = tpu.memref_slice %arg16[%dma_start3A_553, %dma_start3A_554] : memref<128x128xf32, #tpu.memory_space<vmem_shared>> -> memref<128x128xf32, #tpu.memory_space<vmem_shared>>
    tpu.enqueue_indirect_dma source(%dma_start3A_555 : memref<128x128xf32, #tpu.memory_space<vmem_shared>>) target(%arg14 : memref<80x128xf32, #tpu.memory_space<vmem>>) offsets(%dma_start3A_552 : memref<80xi32, #tpu.memory_space<vmem>>) semaphore(%arg22 : memref<!tpu.dma_semaphore, #tpu.memory_space<semaphore_mem>>)
    %multiple_of3A_556 = arith.constant 80 : i32
    %multiple_of3A_557 = tpu.assume_multiple %multiple_of3A_556, 8 : i32
    %dma_wait3A_558 = tpu.memref_slice %arg10[%multiple_of3A_557] : memref<10000xi32, #tpu.memory_space<vmem>> -> memref<80xi32, #tpu.memory_space<vmem>>
    %dma_wait3A_559 = arith.constant 0 : i32
    %dma_wait3A_560 = arith.constant 0 : i32
    %dma_wait3A_561 = tpu.memref_slice %arg16[%dma_wait3A_559, %dma_wait3A_560] : memref<128x128xf32, #tpu.memory_space<vmem_shared>> -> memref<128x128xf32, #tpu.memory_space<vmem_shared>>
    tpu.wait_indirect_dma semaphore(%arg20 : memref<!tpu.dma_semaphore, #tpu.memory_space<semaphore_mem>>) src(%dma_wait3A_561 : memref<128x128xf32, #tpu.memory_space<vmem_shared>>) dst(%arg12 : memref<80x128xf32, #tpu.memory_space<vmem>>)
    %add3A_562 = arith.constant 80 : i32
    %add3A_563 = arith.addi %multiple_of3A, %add3A_562 : i32
    %multiple_of3A_564 = tpu.assume_multiple %add3A_563, 8 : i32
    %dma_start3A_565 = arith.constant 0 : i32
    %dma_start3A_566 = tpu.memref_slice %arg6[%multiple_of3A_564, %dma_start3A_565] : memref<320000x128xf32, #tpu.memory_space<hbm>> -> memref<80x128xf32, #tpu.memory_space<hbm>>
    %dma_start3A_567 = arith.constant 0 : i32
    %dma_start3A_568 = tpu.memref_slice %arg6[%multiple_of3A_564, %dma_start3A_567] : memref<320000x128xf32, #tpu.memory_space<hbm>> -> memref<80x128xf32, #tpu.memory_space<hbm>>
    tpu.enqueue_dma source(%arg12 : memref<80x128xf32, #tpu.memory_space<vmem>>) target(%dma_start3A_568 : memref<80x128xf32, #tpu.memory_space<hbm>>) target_semaphore(%arg25 : memref<!tpu.dma_semaphore, #tpu.memory_space<semaphore_mem>>)
    %multiple_of3A_569 = arith.constant 320 : i32
    %multiple_of3A_570 = tpu.assume_multiple %multiple_of3A_569, 8 : i32
    %get3A_571 = arith.index_cast %multiple_of3A_570 : i32 to index
    %get3A_572 = tpu.vector_load %arg7[%get3A_571] {strides = array<i32>} : memref<10000xi32, #tpu.memory_space<vmem>>, vector<16xi32>,
    %get3A_573 = vector.shape_cast %get3A_572 : vector<16xi32> to vector<16xi32>
    %mul3A_574 = arith.constant 21 : i32
    %mul3A_575 = vector.broadcast %mul3A_574 : i32 to vector<16xi32>
    %mul3A_576 = arith.muli %get3A_573, %mul3A_575 : vector<16xi32>
    %get3A_577 = arith.index_cast %multiple_of3A_570 : i32 to index
    %get3A_578 = tpu.vector_load %arg8[%get3A_577] {strides = array<i32>} : memref<10000xi32, #tpu.memory_space<vmem>>, vector<16xi32>,
    %get3A_579 = vector.shape_cast %get3A_578 : vector<16xi32> to vector<16xi32>
    %mul3A_580 = arith.constant 3 : i32
    %mul3A_581 = vector.broadcast %mul3A_580 : i32 to vector<16xi32>
    %mul3A_582 = arith.muli %get3A_579, %mul3A_581 : vector<16xi32>
    %add3A_583 = arith.addi %mul3A_576, %mul3A_582 : vector<16xi32>
    %get3A_584 = arith.index_cast %multiple_of3A_570 : i32 to index
    %get3A_585 = tpu.vector_load %arg9[%get3A_584] {strides = array<i32>} : memref<10000xi32, #tpu.memory_space<vmem>>, vector<16xi32>,
    %get3A_586 = vector.shape_cast %get3A_585 : vector<16xi32> to vector<16xi32>
    %add3A_587 = arith.addi %add3A_583, %get3A_586 : vector<16xi32>
    %swap3A_588 = arith.index_cast %multiple_of3A_570 : i32 to index
    %swap3A_589 = tpu.vector_load %arg10[%swap3A_588] {strides = array<i32>} : memref<10000xi32, #tpu.memory_space<vmem>>, vector<16xi32>,
    %swap3A_590 = vector.shape_cast %swap3A_589 : vector<16xi32> to vector<16xi32>
    %swap3A_591 = vector.shape_cast %add3A_587 : vector<16xi32> to vector<16xi32>
    tpu.vector_store %arg10[%swap3A_588], %swap3A_591 {strides = array<i32>} : memref<10000xi32, #tpu.memory_space<vmem>>, vector<16xi32>,
    %multiple_of3A_592 = arith.constant 336 : i32
    %multiple_of3A_593 = tpu.assume_multiple %multiple_of3A_592, 8 : i32
    %get3A_594 = arith.index_cast %multiple_of3A_593 : i32 to index
    %get3A_595 = tpu.vector_load %arg7[%get3A_594] {strides = array<i32>} : memref<10000xi32, #tpu.memory_space<vmem>>, vector<16xi32>,
    %get3A_596 = vector.shape_cast %get3A_595 : vector<16xi32> to vector<16xi32>
    %mul3A_597 = arith.constant 21 : i32
    %mul3A_598 = vector.broadcast %mul3A_597 : i32 to vector<16xi32>
    %mul3A_599 = arith.muli %get3A_596, %mul3A_598 : vector<16xi32>
    %get3A_600 = arith.index_cast %multiple_of3A_593 : i32 to index
    %get3A_601 = tpu.vector_load %arg8[%get3A_600] {strides = array<i32>} : memref<10000xi32, #tpu.memory_space<vmem>>, vector<16xi32>,
    %get3A_602 = vector.shape_cast %get3A_601 : vector<16xi32> to vector<16xi32>
    %mul3A_603 = arith.constant 3 : i32
    %mul3A_604 = vector.broadcast %mul3A_603 : i32 to vector<16xi32>
    %mul3A_605 = arith.muli %get3A_602, %mul3A_604 : vector<16xi32>
    %add3A_606 = arith.addi %mul3A_599, %mul3A_605 : vector<16xi32>
    %get3A_607 = arith.index_cast %multiple_of3A_593 : i32 to index
    %get3A_608 = tpu.vector_load %arg9[%get3A_607] {strides = array<i32>} : memref<10000xi32, #tpu.memory_space<vmem>>, vector<16xi32>,
    %get3A_609 = vector.shape_cast %get3A_608 : vector<16xi32> to vector<16xi32>
    %add3A_610 = arith.addi %add3A_606, %get3A_609 : vector<16xi32>
    %swap3A_611 = arith.index_cast %multiple_of3A_593 : i32 to index
    %swap3A_612 = tpu.vector_load %arg10[%swap3A_611] {strides = array<i32>} : memref<10000xi32, #tpu.memory_space<vmem>>, vector<16xi32>,
    %swap3A_613 = vector.shape_cast %swap3A_612 : vector<16xi32> to vector<16xi32>
    %swap3A_614 = vector.shape_cast %add3A_610 : vector<16xi32> to vector<16xi32>
    tpu.vector_store %arg10[%swap3A_611], %swap3A_614 {strides = array<i32>} : memref<10000xi32, #tpu.memory_space<vmem>>, vector<16xi32>,
    %multiple_of3A_615 = arith.constant 352 : i32
    %multiple_of3A_616 = tpu.assume_multiple %multiple_of3A_615, 8 : i32
    %get3A_617 = arith.index_cast %multiple_of3A_616 : i32 to index
    %get3A_618 = tpu.vector_load %arg7[%get3A_617] {strides = array<i32>} : memref<10000xi32, #tpu.memory_space<vmem>>, vector<16xi32>,
    %get3A_619 = vector.shape_cast %get3A_618 : vector<16xi32> to vector<16xi32>
    %mul3A_620 = arith.constant 21 : i32
    %mul3A_621 = vector.broadcast %mul3A_620 : i32 to vector<16xi32>
    %mul3A_622 = arith.muli %get3A_619, %mul3A_621 : vector<16xi32>
    %get3A_623 = arith.index_cast %multiple_of3A_616 : i32 to index
    %get3A_624 = tpu.vector_load %arg8[%get3A_623] {strides = array<i32>} : memref<10000xi32, #tpu.memory_space<vmem>>, vector<16xi32>,
    %get3A_625 = vector.shape_cast %get3A_624 : vector<16xi32> to vector<16xi32>
    %mul3A_626 = arith.constant 3 : i32
    %mul3A_627 = vector.broadcast %mul3A_626 : i32 to vector<16xi32>
    %mul3A_628 = arith.muli %get3A_625, %mul3A_627 : vector<16xi32>
    %add3A_629 = arith.addi %mul3A_622, %mul3A_628 : vector<16xi32>
    %get3A_630 = arith.index_cast %multiple_of3A_616 : i32 to index
    %get3A_631 = tpu.vector_load %arg9[%get3A_630] {strides = array<i32>} : memref<10000xi32, #tpu.memory_space<vmem>>, vector<16xi32>,
    %get3A_632 = vector.shape_cast %get3A_631 : vector<16xi32> to vector<16xi32>
    %add3A_633 = arith.addi %add3A_629, %get3A_632 : vector<16xi32>
    %swap3A_634 = arith.index_cast %multiple_of3A_616 : i32 to index
    %swap3A_635 = tpu.vector_load %arg10[%swap3A_634] {strides = array<i32>} : memref<10000xi32, #tpu.memory_space<vmem>>, vector<16xi32>,
    %swap3A_636 = vector.shape_cast %swap3A_635 : vector<16xi32> to vector<16xi32>
    %swap3A_637 = vector.shape_cast %add3A_633 : vector<16xi32> to vector<16xi32>
    tpu.vector_store %arg10[%swap3A_634], %swap3A_637 {strides = array<i32>} : memref<10000xi32, #tpu.memory_space<vmem>>, vector<16xi32>,
    %multiple_of3A_638 = arith.constant 368 : i32
    %multiple_of3A_639 = tpu.assume_multiple %multiple_of3A_638, 8 : i32
    %get3A_640 = arith.index_cast %multiple_of3A_639 : i32 to index
    %get3A_641 = tpu.vector_load %arg7[%get3A_640] {strides = array<i32>} : memref<10000xi32, #tpu.memory_space<vmem>>, vector<16xi32>,
    %get3A_642 = vector.shape_cast %get3A_641 : vector<16xi32> to vector<16xi32>
    %mul3A_643 = arith.constant 21 : i32
    %mul3A_644 = vector.broadcast %mul3A_643 : i32 to vector<16xi32>
    %mul3A_645 = arith.muli %get3A_642, %mul3A_644 : vector<16xi32>
    %get3A_646 = arith.index_cast %multiple_of3A_639 : i32 to index
    %get3A_647 = tpu.vector_load %arg8[%get3A_646] {strides = array<i32>} : memref<10000xi32, #tpu.memory_space<vmem>>, vector<16xi32>,
    %get3A_648 = vector.shape_cast %get3A_647 : vector<16xi32> to vector<16xi32>
    %mul3A_649 = arith.constant 3 : i32
    %mul3A_650 = vector.broadcast %mul3A_649 : i32 to vector<16xi32>
    %mul3A_651 = arith.muli %get3A_648, %mul3A_650 : vector<16xi32>
    %add3A_652 = arith.addi %mul3A_645, %mul3A_651 : vector<16xi32>
    %get3A_653 = arith.index_cast %multiple_of3A_639 : i32 to index
    %get3A_654 = tpu.vector_load %arg9[%get3A_653] {strides = array<i32>} : memref<10000xi32, #tpu.memory_space<vmem>>, vector<16xi32>,
    %get3A_655 = vector.shape_cast %get3A_654 : vector<16xi32> to vector<16xi32>
    %add3A_656 = arith.addi %add3A_652, %get3A_655 : vector<16xi32>
    %swap3A_657 = arith.index_cast %multiple_of3A_639 : i32 to index
    %swap3A_658 = tpu.vector_load %arg10[%swap3A_657] {strides = array<i32>} : memref<10000xi32, #tpu.memory_space<vmem>>, vector<16xi32>,
    %swap3A_659 = vector.shape_cast %swap3A_658 : vector<16xi32> to vector<16xi32>
    %swap3A_660 = vector.shape_cast %add3A_656 : vector<16xi32> to vector<16xi32>
    tpu.vector_store %arg10[%swap3A_657], %swap3A_660 {strides = array<i32>} : memref<10000xi32, #tpu.memory_space<vmem>>, vector<16xi32>,
    %multiple_of3A_661 = arith.constant 384 : i32
    %multiple_of3A_662 = tpu.assume_multiple %multiple_of3A_661, 8 : i32
    %get3A_663 = arith.index_cast %multiple_of3A_662 : i32 to index
    %get3A_664 = tpu.vector_load %arg7[%get3A_663] {strides = array<i32>} : memref<10000xi32, #tpu.memory_space<vmem>>, vector<16xi32>,
    %get3A_665 = vector.shape_cast %get3A_664 : vector<16xi32> to vector<16xi32>
    %mul3A_666 = arith.constant 21 : i32
    %mul3A_667 = vector.broadcast %mul3A_666 : i32 to vector<16xi32>
    %mul3A_668 = arith.muli %get3A_665, %mul3A_667 : vector<16xi32>
    %get3A_669 = arith.index_cast %multiple_of3A_662 : i32 to index
    %get3A_670 = tpu.vector_load %arg8[%get3A_669] {strides = array<i32>} : memref<10000xi32, #tpu.memory_space<vmem>>, vector<16xi32>,
    %get3A_671 = vector.shape_cast %get3A_670 : vector<16xi32> to vector<16xi32>
    %mul3A_672 = arith.constant 3 : i32
    %mul3A_673 = vector.broadcast %mul3A_672 : i32 to vector<16xi32>
    %mul3A_674 = arith.muli %get3A_671, %mul3A_673 : vector<16xi32>
    %add3A_675 = arith.addi %mul3A_668, %mul3A_674 : vector<16xi32>
    %get3A_676 = arith.index_cast %multiple_of3A_662 : i32 to index
    %get3A_677 = tpu.vector_load %arg9[%get3A_676] {strides = array<i32>} : memref<10000xi32, #tpu.memory_space<vmem>>, vector<16xi32>,
    %get3A_678 = vector.shape_cast %get3A_677 : vector<16xi32> to vector<16xi32>
    %add3A_679 = arith.addi %add3A_675, %get3A_678 : vector<16xi32>
    %swap3A_680 = arith.index_cast %multiple_of3A_662 : i32 to index
    %swap3A_681 = tpu.vector_load %arg10[%swap3A_680] {strides = array<i32>} : memref<10000xi32, #tpu.memory_space<vmem>>, vector<16xi32>,
    %swap3A_682 = vector.shape_cast %swap3A_681 : vector<16xi32> to vector<16xi32>
    %swap3A_683 = vector.shape_cast %add3A_679 : vector<16xi32> to vector<16xi32>
    tpu.vector_store %arg10[%swap3A_680], %swap3A_683 {strides = array<i32>} : memref<10000xi32, #tpu.memory_space<vmem>>, vector<16xi32>,
    %multiple_of3A_684 = arith.constant 320 : i32
    %multiple_of3A_685 = tpu.assume_multiple %multiple_of3A_684, 8 : i32
    %dma_start3A_686 = tpu.memref_slice %arg10[%multiple_of3A_685] : memref<10000xi32, #tpu.memory_space<vmem>> -> memref<80xi32, #tpu.memory_space<vmem>>
    %dma_start3A_687 = arith.constant 0 : i32
    %dma_start3A_688 = arith.constant 0 : i32
    %dma_start3A_689 = tpu.memref_slice %arg16[%dma_start3A_687, %dma_start3A_688] : memref<128x128xf32, #tpu.memory_space<vmem_shared>> -> memref<128x128xf32, #tpu.memory_space<vmem_shared>>
    tpu.enqueue_indirect_dma source(%dma_start3A_689 : memref<128x128xf32, #tpu.memory_space<vmem_shared>>) target(%arg15 : memref<80x128xf32, #tpu.memory_space<vmem>>) offsets(%dma_start3A_686 : memref<80xi32, #tpu.memory_space<vmem>>) semaphore(%arg23 : memref<!tpu.dma_semaphore, #tpu.memory_space<semaphore_mem>>)
    %multiple_of3A_690 = arith.constant 160 : i32
    %multiple_of3A_691 = tpu.assume_multiple %multiple_of3A_690, 8 : i32
    %dma_wait3A_692 = tpu.memref_slice %arg10[%multiple_of3A_691] : memref<10000xi32, #tpu.memory_space<vmem>> -> memref<80xi32, #tpu.memory_space<vmem>>
    %dma_wait3A_693 = arith.constant 0 : i32
    %dma_wait3A_694 = arith.constant 0 : i32
    %dma_wait3A_695 = tpu.memref_slice %arg16[%dma_wait3A_693, %dma_wait3A_694] : memref<128x128xf32, #tpu.memory_space<vmem_shared>> -> memref<128x128xf32, #tpu.memory_space<vmem_shared>>
    tpu.wait_indirect_dma semaphore(%arg21 : memref<!tpu.dma_semaphore, #tpu.memory_space<semaphore_mem>>) src(%dma_wait3A_695 : memref<128x128xf32, #tpu.memory_space<vmem_shared>>) dst(%arg13 : memref<80x128xf32, #tpu.memory_space<vmem>>)
    %add3A_696 = arith.constant 160 : i32
    %add3A_697 = arith.addi %multiple_of3A, %add3A_696 : i32
    %multiple_of3A_698 = tpu.assume_multiple %add3A_697, 8 : i32
    %dma_start3A_699 = arith.constant 0 : i32
    %dma_start3A_700 = tpu.memref_slice %arg6[%multiple_of3A_698, %dma_start3A_699] : memref<320000x128xf32, #tpu.memory_space<hbm>> -> memref<80x128xf32, #tpu.memory_space<hbm>>
    %dma_start3A_701 = arith.constant 0 : i32
    %dma_start3A_702 = tpu.memref_slice %arg6[%multiple_of3A_698, %dma_start3A_701] : memref<320000x128xf32, #tpu.memory_space<hbm>> -> memref<80x128xf32, #tpu.memory_space<hbm>>
    tpu.enqueue_dma source(%arg13 : memref<80x128xf32, #tpu.memory_space<vmem>>) target(%dma_start3A_702 : memref<80x128xf32, #tpu.memory_space<hbm>>) target_semaphore(%arg26 : memref<!tpu.dma_semaphore, #tpu.memory_space<semaphore_mem>>)
    %dma_wait3A_703 = arith.constant 800 : i32
    %dma_wait3A_704 = tpu.memref_slice %arg7[%dma_wait3A_703] : memref<10000xi32, #tpu.memory_space<vmem>> -> memref<9200xi32, #tpu.memory_space<vmem>>
    %dma_wait3A_705 = tpu.memref_slice %arg2[%multiple_of3A_22] : memref<320000xi32, #tpu.memory_space<hbm>> -> memref<9200xi32, #tpu.memory_space<hbm>>
    %dma_wait3A_706 = arith.constant 800 : i32
    %dma_wait3A_707 = tpu.memref_slice %arg7[%dma_wait3A_706] : memref<10000xi32, #tpu.memory_space<vmem>> -> memref<9200xi32, #tpu.memory_space<vmem>>
    %dma_wait3A_708 = tpu.memref_slice %arg2[%multiple_of3A_22] : memref<320000xi32, #tpu.memory_space<hbm>> -> memref<9200xi32, #tpu.memory_space<hbm>>
    tpu.wait_dma2 semaphore(%arg18 : memref<!tpu.dma_semaphore, #tpu.memory_space<semaphore_mem>>) src(%dma_wait3A_708 : memref<9200xi32, #tpu.memory_space<hbm>>) dst(%dma_wait3A_707 : memref<9200xi32, #tpu.memory_space<vmem>>)
    %dma_wait3A_709 = arith.constant 800 : i32
    %dma_wait3A_710 = tpu.memref_slice %arg8[%dma_wait3A_709] : memref<10000xi32, #tpu.memory_space<vmem>> -> memref<9200xi32, #tpu.memory_space<vmem>>
    %dma_wait3A_711 = tpu.memref_slice %arg3[%multiple_of3A_22] : memref<320000xi32, #tpu.memory_space<hbm>> -> memref<9200xi32, #tpu.memory_space<hbm>>
    %dma_wait3A_712 = arith.constant 800 : i32
    %dma_wait3A_713 = tpu.memref_slice %arg8[%dma_wait3A_712] : memref<10000xi32, #tpu.memory_space<vmem>> -> memref<9200xi32, #tpu.memory_space<vmem>>
    %dma_wait3A_714 = tpu.memref_slice %arg3[%multiple_of3A_22] : memref<320000xi32, #tpu.memory_space<hbm>> -> memref<9200xi32, #tpu.memory_space<hbm>>
    tpu.wait_dma2 semaphore(%arg18 : memref<!tpu.dma_semaphore, #tpu.memory_space<semaphore_mem>>) src(%dma_wait3A_714 : memref<9200xi32, #tpu.memory_space<hbm>>) dst(%dma_wait3A_713 : memref<9200xi32, #tpu.memory_space<vmem>>)
    %dma_wait3A_715 = arith.constant 800 : i32
    %dma_wait3A_716 = tpu.memref_slice %arg9[%dma_wait3A_715] : memref<10000xi32, #tpu.memory_space<vmem>> -> memref<9200xi32, #tpu.memory_space<vmem>>
    %dma_wait3A_717 = tpu.memref_slice %arg4[%multiple_of3A_22] : memref<320000xi32, #tpu.memory_space<hbm>> -> memref<9200xi32, #tpu.memory_space<hbm>>
    %dma_wait3A_718 = arith.constant 800 : i32
    %dma_wait3A_719 = tpu.memref_slice %arg9[%dma_wait3A_718] : memref<10000xi32, #tpu.memory_space<vmem>> -> memref<9200xi32, #tpu.memory_space<vmem>>
    %dma_wait3A_720 = tpu.memref_slice %arg4[%multiple_of3A_22] : memref<320000xi32, #tpu.memory_space<hbm>> -> memref<9200xi32, #tpu.memory_space<hbm>>
    tpu.wait_dma2 semaphore(%arg18 : memref<!tpu.dma_semaphore, #tpu.memory_space<semaphore_mem>>) src(%dma_wait3A_720 : memref<9200xi32, #tpu.memory_space<hbm>>) dst(%dma_wait3A_719 : memref<9200xi32, #tpu.memory_space<vmem>>)
    %scan3A = arith.constant 0 : i32
    %scan3A_721 = arith.constant 0 : i32
    %scan3A_722 = arith.constant 24 : i32
    %scan3A_723 = arith.addi %scan3A_721, %scan3A_722 : i32
    %scan3A_724 = arith.constant 1 : i32
    scf.for %scan3A_772 = %scan3A_721 to %scan3A_723 step %scan3A_724  : i32 {
      %mul3A_773 = arith.constant 5 : i32
      %mul3A_774 = arith.muli %scan3A_772, %mul3A_773 : i32
      %add3A_775 = arith.constant 5 : i32
      %add3A_776 = arith.addi %add3A_775, %mul3A_774 : i32
      %add3A_777 = arith.constant 0 : i32
      %add3A_778 = arith.addi %add3A_776, %add3A_777 : i32
      %mul3A_779 = arith.constant 80 : i32
      %mul3A_780 = arith.muli %add3A_778, %mul3A_779 : i32
      %add3A_781 = arith.constant 0 : i32
      %add3A_782 = arith.addi %mul3A_780, %add3A_781 : i32
      %multiple_of3A_783 = tpu.assume_multiple %add3A_782, 8 : i32
      %get3A_784 = arith.index_cast %multiple_of3A_783 : i32 to index
      %get3A_785 = tpu.vector_load %arg7[%get3A_784] {strides = array<i32>} : memref<10000xi32, #tpu.memory_space<vmem>>, vector<16xi32>,
      %get3A_786 = vector.shape_cast %get3A_785 : vector<16xi32> to vector<16xi32>
      %mul3A_787 = arith.constant 21 : i32
      %mul3A_788 = vector.broadcast %mul3A_787 : i32 to vector<16xi32>
      %mul3A_789 = arith.muli %get3A_786, %mul3A_788 : vector<16xi32>
      %get3A_790 = arith.index_cast %multiple_of3A_783 : i32 to index
      %get3A_791 = tpu.vector_load %arg8[%get3A_790] {strides = array<i32>} : memref<10000xi32, #tpu.memory_space<vmem>>, vector<16xi32>,
      %get3A_792 = vector.shape_cast %get3A_791 : vector<16xi32> to vector<16xi32>
      %mul3A_793 = arith.constant 3 : i32
      %mul3A_794 = vector.broadcast %mul3A_793 : i32 to vector<16xi32>
      %mul3A_795 = arith.muli %get3A_792, %mul3A_794 : vector<16xi32>
      %add3A_796 = arith.addi %mul3A_789, %mul3A_795 : vector<16xi32>
      %get3A_797 = arith.index_cast %multiple_of3A_783 : i32 to index
      %get3A_798 = tpu.vector_load %arg9[%get3A_797] {strides = array<i32>} : memref<10000xi32, #tpu.memory_space<vmem>>, vector<16xi32>,
      %get3A_799 = vector.shape_cast %get3A_798 : vector<16xi32> to vector<16xi32>
      %add3A_800 = arith.addi %add3A_796, %get3A_799 : vector<16xi32>
      %swap3A_801 = arith.index_cast %multiple_of3A_783 : i32 to index
      %swap3A_802 = tpu.vector_load %arg10[%swap3A_801] {strides = array<i32>} : memref<10000xi32, #tpu.memory_space<vmem>>, vector<16xi32>,
      %swap3A_803 = vector.shape_cast %swap3A_802 : vector<16xi32> to vector<16xi32>
      %swap3A_804 = vector.shape_cast %add3A_800 : vector<16xi32> to vector<16xi32>
      tpu.vector_store %arg10[%swap3A_801], %swap3A_804 {strides = array<i32>} : memref<10000xi32, #tpu.memory_space<vmem>>, vector<16xi32>,
      %mul3A_805 = arith.constant 80 : i32
      %mul3A_806 = arith.muli %add3A_778, %mul3A_805 : i32
      %add3A_807 = arith.constant 16 : i32
      %add3A_808 = arith.addi %mul3A_806, %add3A_807 : i32
      %multiple_of3A_809 = tpu.assume_multiple %add3A_808, 8 : i32
      %get3A_810 = arith.index_cast %multiple_of3A_809 : i32 to index
      %get3A_811 = tpu.vector_load %arg7[%get3A_810] {strides = array<i32>} : memref<10000xi32, #tpu.memory_space<vmem>>, vector<16xi32>,
      %get3A_812 = vector.shape_cast %get3A_811 : vector<16xi32> to vector<16xi32>
      %mul3A_813 = arith.constant 21 : i32
      %mul3A_814 = vector.broadcast %mul3A_813 : i32 to vector<16xi32>
      %mul3A_815 = arith.muli %get3A_812, %mul3A_814 : vector<16xi32>
      %get3A_816 = arith.index_cast %multiple_of3A_809 : i32 to index
      %get3A_817 = tpu.vector_load %arg8[%get3A_816] {strides = array<i32>} : memref<10000xi32, #tpu.memory_space<vmem>>, vector<16xi32>,
      %get3A_818 = vector.shape_cast %get3A_817 : vector<16xi32> to vector<16xi32>
      %mul3A_819 = arith.constant 3 : i32
      %mul3A_820 = vector.broadcast %mul3A_819 : i32 to vector<16xi32>
      %mul3A_821 = arith.muli %get3A_818, %mul3A_820 : vector<16xi32>
      %add3A_822 = arith.addi %mul3A_815, %mul3A_821 : vector<16xi32>
      %get3A_823 = arith.index_cast %multiple_of3A_809 : i32 to index
      %get3A_824 = tpu.vector_load %arg9[%get3A_823] {strides = array<i32>} : memref<10000xi32, #tpu.memory_space<vmem>>, vector<16xi32>,
      %get3A_825 = vector.shape_cast %get3A_824 : vector<16xi32> to vector<16xi32>
      %add3A_826 = arith.addi %add3A_822, %get3A_825 : vector<16xi32>
      %swap3A_827 = arith.index_cast %multiple_of3A_809 : i32 to index
      %swap3A_828 = tpu.vector_load %arg10[%swap3A_827] {strides = array<i32>} : memref<10000xi32, #tpu.memory_space<vmem>>, vector<16xi32>,
      %swap3A_829 = vector.shape_cast %swap3A_828 : vector<16xi32> to vector<16xi32>
      %swap3A_830 = vector.shape_cast %add3A_826 : vector<16xi32> to vector<16xi32>
      tpu.vector_store %arg10[%swap3A_827], %swap3A_830 {strides = array<i32>} : memref<10000xi32, #tpu.memory_space<vmem>>, vector<16xi32>,
      %mul3A_831 = arith.constant 80 : i32
      %mul3A_832 = arith.muli %add3A_778, %mul3A_831 : i32
      %add3A_833 = arith.constant 32 : i32
      %add3A_834 = arith.addi %mul3A_832, %add3A_833 : i32
      %multiple_of3A_835 = tpu.assume_multiple %add3A_834, 8 : i32
      %get3A_836 = arith.index_cast %multiple_of3A_835 : i32 to index
      %get3A_837 = tpu.vector_load %arg7[%get3A_836] {strides = array<i32>} : memref<10000xi32, #tpu.memory_space<vmem>>, vector<16xi32>,
      %get3A_838 = vector.shape_cast %get3A_837 : vector<16xi32> to vector<16xi32>
      %mul3A_839 = arith.constant 21 : i32
      %mul3A_840 = vector.broadcast %mul3A_839 : i32 to vector<16xi32>
      %mul3A_841 = arith.muli %get3A_838, %mul3A_840 : vector<16xi32>
      %get3A_842 = arith.index_cast %multiple_of3A_835 : i32 to index
      %get3A_843 = tpu.vector_load %arg8[%get3A_842] {strides = array<i32>} : memref<10000xi32, #tpu.memory_space<vmem>>, vector<16xi32>,
      %get3A_844 = vector.shape_cast %get3A_843 : vector<16xi32> to vector<16xi32>
      %mul3A_845 = arith.constant 3 : i32
      %mul3A_846 = vector.broadcast %mul3A_845 : i32 to vector<16xi32>
      %mul3A_847 = arith.muli %get3A_844, %mul3A_846 : vector<16xi32>
      %add3A_848 = arith.addi %mul3A_841, %mul3A_847 : vector<16xi32>
      %get3A_849 = arith.index_cast %multiple_of3A_835 : i32 to index
      %get3A_850 = tpu.vector_load %arg9[%get3A_849] {strides = array<i32>} : memref<10000xi32, #tpu.memory_space<vmem>>, vector<16xi32>,
      %get3A_851 = vector.shape_cast %get3A_850 : vector<16xi32> to vector<16xi32>
      %add3A_852 = arith.addi %add3A_848, %get3A_851 : vector<16xi32>
      %swap3A_853 = arith.index_cast %multiple_of3A_835 : i32 to index
      %swap3A_854 = tpu.vector_load %arg10[%swap3A_853] {strides = array<i32>} : memref<10000xi32, #tpu.memory_space<vmem>>, vector<16xi32>,
      %swap3A_855 = vector.shape_cast %swap3A_854 : vector<16xi32> to vector<16xi32>
      %swap3A_856 = vector.shape_cast %add3A_852 : vector<16xi32> to vector<16xi32>
      tpu.vector_store %arg10[%swap3A_853], %swap3A_856 {strides = array<i32>} : memref<10000xi32, #tpu.memory_space<vmem>>, vector<16xi32>,
      %mul3A_857 = arith.constant 80 : i32
      %mul3A_858 = arith.muli %add3A_778, %mul3A_857 : i32
      %add3A_859 = arith.constant 48 : i32
      %add3A_860 = arith.addi %mul3A_858, %add3A_859 : i32
      %multiple_of3A_861 = tpu.assume_multiple %add3A_860, 8 : i32
      %get3A_862 = arith.index_cast %multiple_of3A_861 : i32 to index
      %get3A_863 = tpu.vector_load %arg7[%get3A_862] {strides = array<i32>} : memref<10000xi32, #tpu.memory_space<vmem>>, vector<16xi32>,
      %get3A_864 = vector.shape_cast %get3A_863 : vector<16xi32> to vector<16xi32>
      %mul3A_865 = arith.constant 21 : i32
      %mul3A_866 = vector.broadcast %mul3A_865 : i32 to vector<16xi32>
      %mul3A_867 = arith.muli %get3A_864, %mul3A_866 : vector<16xi32>
      %get3A_868 = arith.index_cast %multiple_of3A_861 : i32 to index
      %get3A_869 = tpu.vector_load %arg8[%get3A_868] {strides = array<i32>} : memref<10000xi32, #tpu.memory_space<vmem>>, vector<16xi32>,
      %get3A_870 = vector.shape_cast %get3A_869 : vector<16xi32> to vector<16xi32>
      %mul3A_871 = arith.constant 3 : i32
      %mul3A_872 = vector.broadcast %mul3A_871 : i32 to vector<16xi32>
      %mul3A_873 = arith.muli %get3A_870, %mul3A_872 : vector<16xi32>
      %add3A_874 = arith.addi %mul3A_867, %mul3A_873 : vector<16xi32>
      %get3A_875 = arith.index_cast %multiple_of3A_861 : i32 to index
      %get3A_876 = tpu.vector_load %arg9[%get3A_875] {strides = array<i32>} : memref<10000xi32, #tpu.memory_space<vmem>>, vector<16xi32>,
      %get3A_877 = vector.shape_cast %get3A_876 : vector<16xi32> to vector<16xi32>
      %add3A_878 = arith.addi %add3A_874, %get3A_877 : vector<16xi32>
      %swap3A_879 = arith.index_cast %multiple_of3A_861 : i32 to index
      %swap3A_880 = tpu.vector_load %arg10[%swap3A_879] {strides = array<i32>} : memref<10000xi32, #tpu.memory_space<vmem>>, vector<16xi32>,
      %swap3A_881 = vector.shape_cast %swap3A_880 : vector<16xi32> to vector<16xi32>
      %swap3A_882 = vector.shape_cast %add3A_878 : vector<16xi32> to vector<16xi32>
      tpu.vector_store %arg10[%swap3A_879], %swap3A_882 {strides = array<i32>} : memref<10000xi32, #tpu.memory_space<vmem>>, vector<16xi32>,
      %mul3A_883 = arith.constant 80 : i32
      %mul3A_884 = arith.muli %add3A_778, %mul3A_883 : i32
      %add3A_885 = arith.constant 64 : i32
      %add3A_886 = arith.addi %mul3A_884, %add3A_885 : i32
      %multiple_of3A_887 = tpu.assume_multiple %add3A_886, 8 : i32
      %get3A_888 = arith.index_cast %multiple_of3A_887 : i32 to index
      %get3A_889 = tpu.vector_load %arg7[%get3A_888] {strides = array<i32>} : memref<10000xi32, #tpu.memory_space<vmem>>, vector<16xi32>,
      %get3A_890 = vector.shape_cast %get3A_889 : vector<16xi32> to vector<16xi32>
      %mul3A_891 = arith.constant 21 : i32
      %mul3A_892 = vector.broadcast %mul3A_891 : i32 to vector<16xi32>
      %mul3A_893 = arith.muli %get3A_890, %mul3A_892 : vector<16xi32>
      %get3A_894 = arith.index_cast %multiple_of3A_887 : i32 to index
      %get3A_895 = tpu.vector_load %arg8[%get3A_894] {strides = array<i32>} : memref<10000xi32, #tpu.memory_space<vmem>>, vector<16xi32>,
      %get3A_896 = vector.shape_cast %get3A_895 : vector<16xi32> to vector<16xi32>
      %mul3A_897 = arith.constant 3 : i32
      %mul3A_898 = vector.broadcast %mul3A_897 : i32 to vector<16xi32>
      %mul3A_899 = arith.muli %get3A_896, %mul3A_898 : vector<16xi32>
      %add3A_900 = arith.addi %mul3A_893, %mul3A_899 : vector<16xi32>
      %get3A_901 = arith.index_cast %multiple_of3A_887 : i32 to index
      %get3A_902 = tpu.vector_load %arg9[%get3A_901] {strides = array<i32>} : memref<10000xi32, #tpu.memory_space<vmem>>, vector<16xi32>,
      %get3A_903 = vector.shape_cast %get3A_902 : vector<16xi32> to vector<16xi32>
      %add3A_904 = arith.addi %add3A_900, %get3A_903 : vector<16xi32>
      %swap3A_905 = arith.index_cast %multiple_of3A_887 : i32 to index
      %swap3A_906 = tpu.vector_load %arg10[%swap3A_905] {strides = array<i32>} : memref<10000xi32, #tpu.memory_space<vmem>>, vector<16xi32>,
      %swap3A_907 = vector.shape_cast %swap3A_906 : vector<16xi32> to vector<16xi32>
      %swap3A_908 = vector.shape_cast %add3A_904 : vector<16xi32> to vector<16xi32>
      tpu.vector_store %arg10[%swap3A_905], %swap3A_908 {strides = array<i32>} : memref<10000xi32, #tpu.memory_space<vmem>>, vector<16xi32>,
      %sub3A = arith.constant 2 : i32
      %sub3A_909 = arith.subi %add3A_778, %sub3A : i32
      %mul3A_910 = arith.constant 80 : i32
      %mul3A_911 = arith.muli %sub3A_909, %mul3A_910 : i32
      %multiple_of3A_912 = tpu.assume_multiple %mul3A_911, 8 : i32
      %dma_wait3A_913 = tpu.memref_slice %arg10[%multiple_of3A_912] : memref<10000xi32, #tpu.memory_space<vmem>> -> memref<80xi32, #tpu.memory_space<vmem>>
      %dma_wait3A_914 = arith.constant 0 : i32
      %dma_wait3A_915 = arith.constant 0 : i32
      %dma_wait3A_916 = tpu.memref_slice %arg16[%dma_wait3A_914, %dma_wait3A_915] : memref<128x128xf32, #tpu.memory_space<vmem_shared>> -> memref<128x128xf32, #tpu.memory_space<vmem_shared>>
      tpu.wait_indirect_dma semaphore(%arg22 : memref<!tpu.dma_semaphore, #tpu.memory_space<semaphore_mem>>) src(%dma_wait3A_916 : memref<128x128xf32, #tpu.memory_space<vmem_shared>>) dst(%arg14 : memref<80x128xf32, #tpu.memory_space<vmem>>)
      %mul3A_917 = arith.constant 80 : i32
      %mul3A_918 = arith.muli %sub3A_909, %mul3A_917 : i32
      %add3A_919 = arith.addi %multiple_of3A, %mul3A_918 : i32
      %multiple_of3A_920 = tpu.assume_multiple %add3A_919, 8 : i32
      %dma_start3A_921 = arith.constant 0 : i32
      %dma_start3A_922 = tpu.memref_slice %arg6[%multiple_of3A_920, %dma_start3A_921] : memref<320000x128xf32, #tpu.memory_space<hbm>> -> memref<80x128xf32, #tpu.memory_space<hbm>>
      %dma_start3A_923 = arith.constant 0 : i32
      %dma_start3A_924 = tpu.memref_slice %arg6[%multiple_of3A_920, %dma_start3A_923] : memref<320000x128xf32, #tpu.memory_space<hbm>> -> memref<80x128xf32, #tpu.memory_space<hbm>>
      tpu.enqueue_dma source(%arg14 : memref<80x128xf32, #tpu.memory_space<vmem>>) target(%dma_start3A_924 : memref<80x128xf32, #tpu.memory_space<hbm>>) target_semaphore(%arg27 : memref<!tpu.dma_semaphore, #tpu.memory_space<semaphore_mem>>)
      %dma_wait3A_925 = arith.constant 0 : i32
      %dma_wait3A_926 = tpu.memref_slice %arg6[%multiple_of3A, %dma_wait3A_925] : memref<320000x128xf32, #tpu.memory_space<hbm>> -> memref<80x128xf32, #tpu.memory_space<hbm>>
      %dma_wait3A_927 = arith.constant 0 : i32
      %dma_wait3A_928 = tpu.memref_slice %arg6[%multiple_of3A, %dma_wait3A_927] : memref<320000x128xf32, #tpu.memory_space<hbm>> -> memref<80x128xf32, #tpu.memory_space<hbm>>
      tpu.wait_dma2 semaphore(%arg24 : memref<!tpu.dma_semaphore, #tpu.memory_space<semaphore_mem>>) src(%arg11 : memref<80x128xf32, #tpu.memory_space<vmem>>) dst(%dma_wait3A_928 : memref<80x128xf32, #tpu.memory_space<hbm>>)
      %mul3A_929 = arith.constant 80 : i32
      %mul3A_930 = arith.muli %add3A_778, %mul3A_929 : i32
      %multiple_of3A_931 = tpu.assume_multiple %mul3A_930, 8 : i32
      %dma_start3A_932 = tpu.memref_slice %arg10[%multiple_of3A_931] : memref<10000xi32, #tpu.memory_space<vmem>> -> memref<80xi32, #tpu.memory_space<vmem>>
      %dma_start3A_933 = arith.constant 0 : i32
      %dma_start3A_934 = arith.constant 0 : i32
      %dma_start3A_935 = tpu.memref_slice %arg16[%dma_start3A_933, %dma_start3A_934] : memref<128x128xf32, #tpu.memory_space<vmem_shared>> -> memref<128x128xf32, #tpu.memory_space<vmem_shared>>
      tpu.enqueue_indirect_dma source(%dma_start3A_935 : memref<128x128xf32, #tpu.memory_space<vmem_shared>>) target(%arg11 : memref<80x128xf32, #tpu.memory_space<vmem>>) offsets(%dma_start3A_932 : memref<80xi32, #tpu.memory_space<vmem>>) semaphore(%arg19 : memref<!tpu.dma_semaphore, #tpu.memory_space<semaphore_mem>>)
      %add3A_936 = arith.constant 1 : i32
      %add3A_937 = arith.addi %add3A_776, %add3A_936 : i32
      %mul3A_938 = arith.constant 80 : i32
      %mul3A_939 = arith.muli %add3A_937, %mul3A_938 : i32
      %add3A_940 = arith.constant 0 : i32
      %add3A_941 = arith.addi %mul3A_939, %add3A_940 : i32
      %multiple_of3A_942 = tpu.assume_multiple %add3A_941, 8 : i32
      %get3A_943 = arith.index_cast %multiple_of3A_942 : i32 to index
      %get3A_944 = tpu.vector_load %arg7[%get3A_943] {strides = array<i32>} : memref<10000xi32, #tpu.memory_space<vmem>>, vector<16xi32>,
      %get3A_945 = vector.shape_cast %get3A_944 : vector<16xi32> to vector<16xi32>
      %mul3A_946 = arith.constant 21 : i32
      %mul3A_947 = vector.broadcast %mul3A_946 : i32 to vector<16xi32>
      %mul3A_948 = arith.muli %get3A_945, %mul3A_947 : vector<16xi32>
      %get3A_949 = arith.index_cast %multiple_of3A_942 : i32 to index
      %get3A_950 = tpu.vector_load %arg8[%get3A_949] {strides = array<i32>} : memref<10000xi32, #tpu.memory_space<vmem>>, vector<16xi32>,
      %get3A_951 = vector.shape_cast %get3A_950 : vector<16xi32> to vector<16xi32>
      %mul3A_952 = arith.constant 3 : i32
      %mul3A_953 = vector.broadcast %mul3A_952 : i32 to vector<16xi32>
      %mul3A_954 = arith.muli %get3A_951, %mul3A_953 : vector<16xi32>
      %add3A_955 = arith.addi %mul3A_948, %mul3A_954 : vector<16xi32>
      %get3A_956 = arith.index_cast %multiple_of3A_942 : i32 to index
      %get3A_957 = tpu.vector_load %arg9[%get3A_956] {strides = array<i32>} : memref<10000xi32, #tpu.memory_space<vmem>>, vector<16xi32>,
      %get3A_958 = vector.shape_cast %get3A_957 : vector<16xi32> to vector<16xi32>
      %add3A_959 = arith.addi %add3A_955, %get3A_958 : vector<16xi32>
      %swap3A_960 = arith.index_cast %multiple_of3A_942 : i32 to index
      %swap3A_961 = tpu.vector_load %arg10[%swap3A_960] {strides = array<i32>} : memref<10000xi32, #tpu.memory_space<vmem>>, vector<16xi32>,
      %swap3A_962 = vector.shape_cast %swap3A_961 : vector<16xi32> to vector<16xi32>
      %swap3A_963 = vector.shape_cast %add3A_959 : vector<16xi32> to vector<16xi32>
      tpu.vector_store %arg10[%swap3A_960], %swap3A_963 {strides = array<i32>} : memref<10000xi32, #tpu.memory_space<vmem>>, vector<16xi32>,
      %mul3A_964 = arith.constant 80 : i32
      %mul3A_965 = arith.muli %add3A_937, %mul3A_964 : i32
      %add3A_966 = arith.constant 16 : i32
      %add3A_967 = arith.addi %mul3A_965, %add3A_966 : i32
      %multiple_of3A_968 = tpu.assume_multiple %add3A_967, 8 : i32
      %get3A_969 = arith.index_cast %multiple_of3A_968 : i32 to index
      %get3A_970 = tpu.vector_load %arg7[%get3A_969] {strides = array<i32>} : memref<10000xi32, #tpu.memory_space<vmem>>, vector<16xi32>,
      %get3A_971 = vector.shape_cast %get3A_970 : vector<16xi32> to vector<16xi32>
      %mul3A_972 = arith.constant 21 : i32
      %mul3A_973 = vector.broadcast %mul3A_972 : i32 to vector<16xi32>
      %mul3A_974 = arith.muli %get3A_971, %mul3A_973 : vector<16xi32>
      %get3A_975 = arith.index_cast %multiple_of3A_968 : i32 to index
      %get3A_976 = tpu.vector_load %arg8[%get3A_975] {strides = array<i32>} : memref<10000xi32, #tpu.memory_space<vmem>>, vector<16xi32>,
      %get3A_977 = vector.shape_cast %get3A_976 : vector<16xi32> to vector<16xi32>
      %mul3A_978 = arith.constant 3 : i32
      %mul3A_979 = vector.broadcast %mul3A_978 : i32 to vector<16xi32>
      %mul3A_980 = arith.muli %get3A_977, %mul3A_979 : vector<16xi32>
      %add3A_981 = arith.addi %mul3A_974, %mul3A_980 : vector<16xi32>
      %get3A_982 = arith.index_cast %multiple_of3A_968 : i32 to index
      %get3A_983 = tpu.vector_load %arg9[%get3A_982] {strides = array<i32>} : memref<10000xi32, #tpu.memory_space<vmem>>, vector<16xi32>,
      %get3A_984 = vector.shape_cast %get3A_983 : vector<16xi32> to vector<16xi32>
      %add3A_985 = arith.addi %add3A_981, %get3A_984 : vector<16xi32>
      %swap3A_986 = arith.index_cast %multiple_of3A_968 : i32 to index
      %swap3A_987 = tpu.vector_load %arg10[%swap3A_986] {strides = array<i32>} : memref<10000xi32, #tpu.memory_space<vmem>>, vector<16xi32>,
      %swap3A_988 = vector.shape_cast %swap3A_987 : vector<16xi32> to vector<16xi32>
      %swap3A_989 = vector.shape_cast %add3A_985 : vector<16xi32> to vector<16xi32>
      tpu.vector_store %arg10[%swap3A_986], %swap3A_989 {strides = array<i32>} : memref<10000xi32, #tpu.memory_space<vmem>>, vector<16xi32>,
      %mul3A_990 = arith.constant 80 : i32
      %mul3A_991 = arith.muli %add3A_937, %mul3A_990 : i32
      %add3A_992 = arith.constant 32 : i32
      %add3A_993 = arith.addi %mul3A_991, %add3A_992 : i32
      %multiple_of3A_994 = tpu.assume_multiple %add3A_993, 8 : i32
      %get3A_995 = arith.index_cast %multiple_of3A_994 : i32 to index
      %get3A_996 = tpu.vector_load %arg7[%get3A_995] {strides = array<i32>} : memref<10000xi32, #tpu.memory_space<vmem>>, vector<16xi32>,
      %get3A_997 = vector.shape_cast %get3A_996 : vector<16xi32> to vector<16xi32>
      %mul3A_998 = arith.constant 21 : i32
      %mul3A_999 = vector.broadcast %mul3A_998 : i32 to vector<16xi32>
      %mul3A_1000 = arith.muli %get3A_997, %mul3A_999 : vector<16xi32>
      %get3A_1001 = arith.index_cast %multiple_of3A_994 : i32 to index
      %get3A_1002 = tpu.vector_load %arg8[%get3A_1001] {strides = array<i32>} : memref<10000xi32, #tpu.memory_space<vmem>>, vector<16xi32>,
      %get3A_1003 = vector.shape_cast %get3A_1002 : vector<16xi32> to vector<16xi32>
      %mul3A_1004 = arith.constant 3 : i32
      %mul3A_1005 = vector.broadcast %mul3A_1004 : i32 to vector<16xi32>
      %mul3A_1006 = arith.muli %get3A_1003, %mul3A_1005 : vector<16xi32>
      %add3A_1007 = arith.addi %mul3A_1000, %mul3A_1006 : vector<16xi32>
      %get3A_1008 = arith.index_cast %multiple_of3A_994 : i32 to index
      %get3A_1009 = tpu.vector_load %arg9[%get3A_1008] {strides = array<i32>} : memref<10000xi32, #tpu.memory_space<vmem>>, vector<16xi32>,
      %get3A_1010 = vector.shape_cast %get3A_1009 : vector<16xi32> to vector<16xi32>
      %add3A_1011 = arith.addi %add3A_1007, %get3A_1010 : vector<16xi32>
      %swap3A_1012 = arith.index_cast %multiple_of3A_994 : i32 to index
      %swap3A_1013 = tpu.vector_load %arg10[%swap3A_1012] {strides = array<i32>} : memref<10000xi32, #tpu.memory_space<vmem>>, vector<16xi32>,
      %swap3A_1014 = vector.shape_cast %swap3A_1013 : vector<16xi32> to vector<16xi32>
      %swap3A_1015 = vector.shape_cast %add3A_1011 : vector<16xi32> to vector<16xi32>
      tpu.vector_store %arg10[%swap3A_1012], %swap3A_1015 {strides = array<i32>} : memref<10000xi32, #tpu.memory_space<vmem>>, vector<16xi32>,
      %mul3A_1016 = arith.constant 80 : i32
      %mul3A_1017 = arith.muli %add3A_937, %mul3A_1016 : i32
      %add3A_1018 = arith.constant 48 : i32
      %add3A_1019 = arith.addi %mul3A_1017, %add3A_1018 : i32
      %multiple_of3A_1020 = tpu.assume_multiple %add3A_1019, 8 : i32
      %get3A_1021 = arith.index_cast %multiple_of3A_1020 : i32 to index
      %get3A_1022 = tpu.vector_load %arg7[%get3A_1021] {strides = array<i32>} : memref<10000xi32, #tpu.memory_space<vmem>>, vector<16xi32>,
      %get3A_1023 = vector.shape_cast %get3A_1022 : vector<16xi32> to vector<16xi32>
      %mul3A_1024 = arith.constant 21 : i32
      %mul3A_1025 = vector.broadcast %mul3A_1024 : i32 to vector<16xi32>
      %mul3A_1026 = arith.muli %get3A_1023, %mul3A_1025 : vector<16xi32>
      %get3A_1027 = arith.index_cast %multiple_of3A_1020 : i32 to index
      %get3A_1028 = tpu.vector_load %arg8[%get3A_1027] {strides = array<i32>} : memref<10000xi32, #tpu.memory_space<vmem>>, vector<16xi32>,
      %get3A_1029 = vector.shape_cast %get3A_1028 : vector<16xi32> to vector<16xi32>
      %mul3A_1030 = arith.constant 3 : i32
      %mul3A_1031 = vector.broadcast %mul3A_1030 : i32 to vector<16xi32>
      %mul3A_1032 = arith.muli %get3A_1029, %mul3A_1031 : vector<16xi32>
      %add3A_1033 = arith.addi %mul3A_1026, %mul3A_1032 : vector<16xi32>
      %get3A_1034 = arith.index_cast %multiple_of3A_1020 : i32 to index
      %get3A_1035 = tpu.vector_load %arg9[%get3A_1034] {strides = array<i32>} : memref<10000xi32, #tpu.memory_space<vmem>>, vector<16xi32>,
      %get3A_1036 = vector.shape_cast %get3A_1035 : vector<16xi32> to vector<16xi32>
      %add3A_1037 = arith.addi %add3A_1033, %get3A_1036 : vector<16xi32>
      %swap3A_1038 = arith.index_cast %multiple_of3A_1020 : i32 to index
      %swap3A_1039 = tpu.vector_load %arg10[%swap3A_1038] {strides = array<i32>} : memref<10000xi32, #tpu.memory_space<vmem>>, vector<16xi32>,
      %swap3A_1040 = vector.shape_cast %swap3A_1039 : vector<16xi32> to vector<16xi32>
      %swap3A_1041 = vector.shape_cast %add3A_1037 : vector<16xi32> to vector<16xi32>
      tpu.vector_store %arg10[%swap3A_1038], %swap3A_1041 {strides = array<i32>} : memref<10000xi32, #tpu.memory_space<vmem>>, vector<16xi32>,
      %mul3A_1042 = arith.constant 80 : i32
      %mul3A_1043 = arith.muli %add3A_937, %mul3A_1042 : i32
      %add3A_1044 = arith.constant 64 : i32
      %add3A_1045 = arith.addi %mul3A_1043, %add3A_1044 : i32
      %multiple_of3A_1046 = tpu.assume_multiple %add3A_1045, 8 : i32
      %get3A_1047 = arith.index_cast %multiple_of3A_1046 : i32 to index
      %get3A_1048 = tpu.vector_load %arg7[%get3A_1047] {strides = array<i32>} : memref<10000xi32, #tpu.memory_space<vmem>>, vector<16xi32>,
      %get3A_1049 = vector.shape_cast %get3A_1048 : vector<16xi32> to vector<16xi32>
      %mul3A_1050 = arith.constant 21 : i32
      %mul3A_1051 = vector.broadcast %mul3A_1050 : i32 to vector<16xi32>
      %mul3A_1052 = arith.muli %get3A_1049, %mul3A_1051 : vector<16xi32>
      %get3A_1053 = arith.index_cast %multiple_of3A_1046 : i32 to index
      %get3A_1054 = tpu.vector_load %arg8[%get3A_1053] {strides = array<i32>} : memref<10000xi32, #tpu.memory_space<vmem>>, vector<16xi32>,
      %get3A_1055 = vector.shape_cast %get3A_1054 : vector<16xi32> to vector<16xi32>
      %mul3A_1056 = arith.constant 3 : i32
      %mul3A_1057 = vector.broadcast %mul3A_1056 : i32 to vector<16xi32>
      %mul3A_1058 = arith.muli %get3A_1055, %mul3A_1057 : vector<16xi32>
      %add3A_1059 = arith.addi %mul3A_1052, %mul3A_1058 : vector<16xi32>
      %get3A_1060 = arith.index_cast %multiple_of3A_1046 : i32 to index
      %get3A_1061 = tpu.vector_load %arg9[%get3A_1060] {strides = array<i32>} : memref<10000xi32, #tpu.memory_space<vmem>>, vector<16xi32>,
      %get3A_1062 = vector.shape_cast %get3A_1061 : vector<16xi32> to vector<16xi32>
      %add3A_1063 = arith.addi %add3A_1059, %get3A_1062 : vector<16xi32>
      %swap3A_1064 = arith.index_cast %multiple_of3A_1046 : i32 to index
      %swap3A_1065 = tpu.vector_load %arg10[%swap3A_1064] {strides = array<i32>} : memref<10000xi32, #tpu.memory_space<vmem>>, vector<16xi32>,
      %swap3A_1066 = vector.shape_cast %swap3A_1065 : vector<16xi32> to vector<16xi32>
      %swap3A_1067 = vector.shape_cast %add3A_1063 : vector<16xi32> to vector<16xi32>
      tpu.vector_store %arg10[%swap3A_1064], %swap3A_1067 {strides = array<i32>} : memref<10000xi32, #tpu.memory_space<vmem>>, vector<16xi32>,
      %sub3A_1068 = arith.constant 2 : i32
      %sub3A_1069 = arith.subi %add3A_937, %sub3A_1068 : i32
      %mul3A_1070 = arith.constant 80 : i32
      %mul3A_1071 = arith.muli %sub3A_1069, %mul3A_1070 : i32
      %multiple_of3A_1072 = tpu.assume_multiple %mul3A_1071, 8 : i32
      %dma_wait3A_1073 = tpu.memref_slice %arg10[%multiple_of3A_1072] : memref<10000xi32, #tpu.memory_space<vmem>> -> memref<80xi32, #tpu.memory_space<vmem>>
      %dma_wait3A_1074 = arith.constant 0 : i32
      %dma_wait3A_1075 = arith.constant 0 : i32
      %dma_wait3A_1076 = tpu.memref_slice %arg16[%dma_wait3A_1074, %dma_wait3A_1075] : memref<128x128xf32, #tpu.memory_space<vmem_shared>> -> memref<128x128xf32, #tpu.memory_space<vmem_shared>>
      tpu.wait_indirect_dma semaphore(%arg23 : memref<!tpu.dma_semaphore, #tpu.memory_space<semaphore_mem>>) src(%dma_wait3A_1076 : memref<128x128xf32, #tpu.memory_space<vmem_shared>>) dst(%arg15 : memref<80x128xf32, #tpu.memory_space<vmem>>)
      %mul3A_1077 = arith.constant 80 : i32
      %mul3A_1078 = arith.muli %sub3A_1069, %mul3A_1077 : i32
      %add3A_1079 = arith.addi %multiple_of3A, %mul3A_1078 : i32
      %multiple_of3A_1080 = tpu.assume_multiple %add3A_1079, 8 : i32
      %dma_start3A_1081 = arith.constant 0 : i32
      %dma_start3A_1082 = tpu.memref_slice %arg6[%multiple_of3A_1080, %dma_start3A_1081] : memref<320000x128xf32, #tpu.memory_space<hbm>> -> memref<80x128xf32, #tpu.memory_space<hbm>>
      %dma_start3A_1083 = arith.constant 0 : i32
      %dma_start3A_1084 = tpu.memref_slice %arg6[%multiple_of3A_1080, %dma_start3A_1083] : memref<320000x128xf32, #tpu.memory_space<hbm>> -> memref<80x128xf32, #tpu.memory_space<hbm>>
      tpu.enqueue_dma source(%arg15 : memref<80x128xf32, #tpu.memory_space<vmem>>) target(%dma_start3A_1084 : memref<80x128xf32, #tpu.memory_space<hbm>>) target_semaphore(%arg28 : memref<!tpu.dma_semaphore, #tpu.memory_space<semaphore_mem>>)
      %dma_wait3A_1085 = arith.constant 0 : i32
      %dma_wait3A_1086 = tpu.memref_slice %arg6[%multiple_of3A, %dma_wait3A_1085] : memref<320000x128xf32, #tpu.memory_space<hbm>> -> memref<80x128xf32, #tpu.memory_space<hbm>>
      %dma_wait3A_1087 = arith.constant 0 : i32
      %dma_wait3A_1088 = tpu.memref_slice %arg6[%multiple_of3A, %dma_wait3A_1087] : memref<320000x128xf32, #tpu.memory_space<hbm>> -> memref<80x128xf32, #tpu.memory_space<hbm>>
      tpu.wait_dma2 semaphore(%arg25 : memref<!tpu.dma_semaphore, #tpu.memory_space<semaphore_mem>>) src(%arg12 : memref<80x128xf32, #tpu.memory_space<vmem>>) dst(%dma_wait3A_1088 : memref<80x128xf32, #tpu.memory_space<hbm>>)
      %mul3A_1089 = arith.constant 80 : i32
      %mul3A_1090 = arith.muli %add3A_937, %mul3A_1089 : i32
      %multiple_of3A_1091 = tpu.assume_multiple %mul3A_1090, 8 : i32
      %dma_start3A_1092 = tpu.memref_slice %arg10[%multiple_of3A_1091] : memref<10000xi32, #tpu.memory_space<vmem>> -> memref<80xi32, #tpu.memory_space<vmem>>
      %dma_start3A_1093 = arith.constant 0 : i32
      %dma_start3A_1094 = arith.constant 0 : i32
      %dma_start3A_1095 = tpu.memref_slice %arg16[%dma_start3A_1093, %dma_start3A_1094] : memref<128x128xf32, #tpu.memory_space<vmem_shared>> -> memref<128x128xf32, #tpu.memory_space<vmem_shared>>
      tpu.enqueue_indirect_dma source(%dma_start3A_1095 : memref<128x128xf32, #tpu.memory_space<vmem_shared>>) target(%arg12 : memref<80x128xf32, #tpu.memory_space<vmem>>) offsets(%dma_start3A_1092 : memref<80xi32, #tpu.memory_space<vmem>>) semaphore(%arg20 : memref<!tpu.dma_semaphore, #tpu.memory_space<semaphore_mem>>)
      %add3A_1096 = arith.constant 2 : i32
      %add3A_1097 = arith.addi %add3A_776, %add3A_1096 : i32
      %mul3A_1098 = arith.constant 80 : i32
      %mul3A_1099 = arith.muli %add3A_1097, %mul3A_1098 : i32
      %add3A_1100 = arith.constant 0 : i32
      %add3A_1101 = arith.addi %mul3A_1099, %add3A_1100 : i32
      %multiple_of3A_1102 = tpu.assume_multiple %add3A_1101, 8 : i32
      %get3A_1103 = arith.index_cast %multiple_of3A_1102 : i32 to index
      %get3A_1104 = tpu.vector_load %arg7[%get3A_1103] {strides = array<i32>} : memref<10000xi32, #tpu.memory_space<vmem>>, vector<16xi32>,
      %get3A_1105 = vector.shape_cast %get3A_1104 : vector<16xi32> to vector<16xi32>
      %mul3A_1106 = arith.constant 21 : i32
      %mul3A_1107 = vector.broadcast %mul3A_1106 : i32 to vector<16xi32>
      %mul3A_1108 = arith.muli %get3A_1105, %mul3A_1107 : vector<16xi32>
      %get3A_1109 = arith.index_cast %multiple_of3A_1102 : i32 to index
      %get3A_1110 = tpu.vector_load %arg8[%get3A_1109] {strides = array<i32>} : memref<10000xi32, #tpu.memory_space<vmem>>, vector<16xi32>,
      %get3A_1111 = vector.shape_cast %get3A_1110 : vector<16xi32> to vector<16xi32>
      %mul3A_1112 = arith.constant 3 : i32
      %mul3A_1113 = vector.broadcast %mul3A_1112 : i32 to vector<16xi32>
      %mul3A_1114 = arith.muli %get3A_1111, %mul3A_1113 : vector<16xi32>
      %add3A_1115 = arith.addi %mul3A_1108, %mul3A_1114 : vector<16xi32>
      %get3A_1116 = arith.index_cast %multiple_of3A_1102 : i32 to index
      %get3A_1117 = tpu.vector_load %arg9[%get3A_1116] {strides = array<i32>} : memref<10000xi32, #tpu.memory_space<vmem>>, vector<16xi32>,
      %get3A_1118 = vector.shape_cast %get3A_1117 : vector<16xi32> to vector<16xi32>
      %add3A_1119 = arith.addi %add3A_1115, %get3A_1118 : vector<16xi32>
      %swap3A_1120 = arith.index_cast %multiple_of3A_1102 : i32 to index
      %swap3A_1121 = tpu.vector_load %arg10[%swap3A_1120] {strides = array<i32>} : memref<10000xi32, #tpu.memory_space<vmem>>, vector<16xi32>,
      %swap3A_1122 = vector.shape_cast %swap3A_1121 : vector<16xi32> to vector<16xi32>
      %swap3A_1123 = vector.shape_cast %add3A_1119 : vector<16xi32> to vector<16xi32>
      tpu.vector_store %arg10[%swap3A_1120], %swap3A_1123 {strides = array<i32>} : memref<10000xi32, #tpu.memory_space<vmem>>, vector<16xi32>,
      %mul3A_1124 = arith.constant 80 : i32
      %mul3A_1125 = arith.muli %add3A_1097, %mul3A_1124 : i32
      %add3A_1126 = arith.constant 16 : i32
      %add3A_1127 = arith.addi %mul3A_1125, %add3A_1126 : i32
      %multiple_of3A_1128 = tpu.assume_multiple %add3A_1127, 8 : i32
      %get3A_1129 = arith.index_cast %multiple_of3A_1128 : i32 to index
      %get3A_1130 = tpu.vector_load %arg7[%get3A_1129] {strides = array<i32>} : memref<10000xi32, #tpu.memory_space<vmem>>, vector<16xi32>,
      %get3A_1131 = vector.shape_cast %get3A_1130 : vector<16xi32> to vector<16xi32>
      %mul3A_1132 = arith.constant 21 : i32
      %mul3A_1133 = vector.broadcast %mul3A_1132 : i32 to vector<16xi32>
      %mul3A_1134 = arith.muli %get3A_1131, %mul3A_1133 : vector<16xi32>
      %get3A_1135 = arith.index_cast %multiple_of3A_1128 : i32 to index
      %get3A_1136 = tpu.vector_load %arg8[%get3A_1135] {strides = array<i32>} : memref<10000xi32, #tpu.memory_space<vmem>>, vector<16xi32>,
      %get3A_1137 = vector.shape_cast %get3A_1136 : vector<16xi32> to vector<16xi32>
      %mul3A_1138 = arith.constant 3 : i32
      %mul3A_1139 = vector.broadcast %mul3A_1138 : i32 to vector<16xi32>
      %mul3A_1140 = arith.muli %get3A_1137, %mul3A_1139 : vector<16xi32>
      %add3A_1141 = arith.addi %mul3A_1134, %mul3A_1140 : vector<16xi32>
      %get3A_1142 = arith.index_cast %multiple_of3A_1128 : i32 to index
      %get3A_1143 = tpu.vector_load %arg9[%get3A_1142] {strides = array<i32>} : memref<10000xi32, #tpu.memory_space<vmem>>, vector<16xi32>,
      %get3A_1144 = vector.shape_cast %get3A_1143 : vector<16xi32> to vector<16xi32>
      %add3A_1145 = arith.addi %add3A_1141, %get3A_1144 : vector<16xi32>
      %swap3A_1146 = arith.index_cast %multiple_of3A_1128 : i32 to index
      %swap3A_1147 = tpu.vector_load %arg10[%swap3A_1146] {strides = array<i32>} : memref<10000xi32, #tpu.memory_space<vmem>>, vector<16xi32>,
      %swap3A_1148 = vector.shape_cast %swap3A_1147 : vector<16xi32> to vector<16xi32>
      %swap3A_1149 = vector.shape_cast %add3A_1145 : vector<16xi32> to vector<16xi32>
      tpu.vector_store %arg10[%swap3A_1146], %swap3A_1149 {strides = array<i32>} : memref<10000xi32, #tpu.memory_space<vmem>>, vector<16xi32>,
      %mul3A_1150 = arith.constant 80 : i32
      %mul3A_1151 = arith.muli %add3A_1097, %mul3A_1150 : i32
      %add3A_1152 = arith.constant 32 : i32
      %add3A_1153 = arith.addi %mul3A_1151, %add3A_1152 : i32
      %multiple_of3A_1154 = tpu.assume_multiple %add3A_1153, 8 : i32
      %get3A_1155 = arith.index_cast %multiple_of3A_1154 : i32 to index
      %get3A_1156 = tpu.vector_load %arg7[%get3A_1155] {strides = array<i32>} : memref<10000xi32, #tpu.memory_space<vmem>>, vector<16xi32>,
      %get3A_1157 = vector.shape_cast %get3A_1156 : vector<16xi32> to vector<16xi32>
      %mul3A_1158 = arith.constant 21 : i32
      %mul3A_1159 = vector.broadcast %mul3A_1158 : i32 to vector<16xi32>
      %mul3A_1160 = arith.muli %get3A_1157, %mul3A_1159 : vector<16xi32>
      %get3A_1161 = arith.index_cast %multiple_of3A_1154 : i32 to index
      %get3A_1162 = tpu.vector_load %arg8[%get3A_1161] {strides = array<i32>} : memref<10000xi32, #tpu.memory_space<vmem>>, vector<16xi32>,
      %get3A_1163 = vector.shape_cast %get3A_1162 : vector<16xi32> to vector<16xi32>
      %mul3A_1164 = arith.constant 3 : i32
      %mul3A_1165 = vector.broadcast %mul3A_1164 : i32 to vector<16xi32>
      %mul3A_1166 = arith.muli %get3A_1163, %mul3A_1165 : vector<16xi32>
      %add3A_1167 = arith.addi %mul3A_1160, %mul3A_1166 : vector<16xi32>
      %get3A_1168 = arith.index_cast %multiple_of3A_1154 : i32 to index
      %get3A_1169 = tpu.vector_load %arg9[%get3A_1168] {strides = array<i32>} : memref<10000xi32, #tpu.memory_space<vmem>>, vector<16xi32>,
      %get3A_1170 = vector.shape_cast %get3A_1169 : vector<16xi32> to vector<16xi32>
      %add3A_1171 = arith.addi %add3A_1167, %get3A_1170 : vector<16xi32>
      %swap3A_1172 = arith.index_cast %multiple_of3A_1154 : i32 to index
      %swap3A_1173 = tpu.vector_load %arg10[%swap3A_1172] {strides = array<i32>} : memref<10000xi32, #tpu.memory_space<vmem>>, vector<16xi32>,
      %swap3A_1174 = vector.shape_cast %swap3A_1173 : vector<16xi32> to vector<16xi32>
      %swap3A_1175 = vector.shape_cast %add3A_1171 : vector<16xi32> to vector<16xi32>
      tpu.vector_store %arg10[%swap3A_1172], %swap3A_1175 {strides = array<i32>} : memref<10000xi32, #tpu.memory_space<vmem>>, vector<16xi32>,
      %mul3A_1176 = arith.constant 80 : i32
      %mul3A_1177 = arith.muli %add3A_1097, %mul3A_1176 : i32
      %add3A_1178 = arith.constant 48 : i32
      %add3A_1179 = arith.addi %mul3A_1177, %add3A_1178 : i32
      %multiple_of3A_1180 = tpu.assume_multiple %add3A_1179, 8 : i32
      %get3A_1181 = arith.index_cast %multiple_of3A_1180 : i32 to index
      %get3A_1182 = tpu.vector_load %arg7[%get3A_1181] {strides = array<i32>} : memref<10000xi32, #tpu.memory_space<vmem>>, vector<16xi32>,
      %get3A_1183 = vector.shape_cast %get3A_1182 : vector<16xi32> to vector<16xi32>
      %mul3A_1184 = arith.constant 21 : i32
      %mul3A_1185 = vector.broadcast %mul3A_1184 : i32 to vector<16xi32>
      %mul3A_1186 = arith.muli %get3A_1183, %mul3A_1185 : vector<16xi32>
      %get3A_1187 = arith.index_cast %multiple_of3A_1180 : i32 to index
      %get3A_1188 = tpu.vector_load %arg8[%get3A_1187] {strides = array<i32>} : memref<10000xi32, #tpu.memory_space<vmem>>, vector<16xi32>,
      %get3A_1189 = vector.shape_cast %get3A_1188 : vector<16xi32> to vector<16xi32>
      %mul3A_1190 = arith.constant 3 : i32
      %mul3A_1191 = vector.broadcast %mul3A_1190 : i32 to vector<16xi32>
      %mul3A_1192 = arith.muli %get3A_1189, %mul3A_1191 : vector<16xi32>
      %add3A_1193 = arith.addi %mul3A_1186, %mul3A_1192 : vector<16xi32>
      %get3A_1194 = arith.index_cast %multiple_of3A_1180 : i32 to index
      %get3A_1195 = tpu.vector_load %arg9[%get3A_1194] {strides = array<i32>} : memref<10000xi32, #tpu.memory_space<vmem>>, vector<16xi32>,
      %get3A_1196 = vector.shape_cast %get3A_1195 : vector<16xi32> to vector<16xi32>
      %add3A_1197 = arith.addi %add3A_1193, %get3A_1196 : vector<16xi32>
      %swap3A_1198 = arith.index_cast %multiple_of3A_1180 : i32 to index
      %swap3A_1199 = tpu.vector_load %arg10[%swap3A_1198] {strides = array<i32>} : memref<10000xi32, #tpu.memory_space<vmem>>, vector<16xi32>,
      %swap3A_1200 = vector.shape_cast %swap3A_1199 : vector<16xi32> to vector<16xi32>
      %swap3A_1201 = vector.shape_cast %add3A_1197 : vector<16xi32> to vector<16xi32>
      tpu.vector_store %arg10[%swap3A_1198], %swap3A_1201 {strides = array<i32>} : memref<10000xi32, #tpu.memory_space<vmem>>, vector<16xi32>,
      %mul3A_1202 = arith.constant 80 : i32
      %mul3A_1203 = arith.muli %add3A_1097, %mul3A_1202 : i32
      %add3A_1204 = arith.constant 64 : i32
      %add3A_1205 = arith.addi %mul3A_1203, %add3A_1204 : i32
      %multiple_of3A_1206 = tpu.assume_multiple %add3A_1205, 8 : i32
      %get3A_1207 = arith.index_cast %multiple_of3A_1206 : i32 to index
      %get3A_1208 = tpu.vector_load %arg7[%get3A_1207] {strides = array<i32>} : memref<10000xi32, #tpu.memory_space<vmem>>, vector<16xi32>,
      %get3A_1209 = vector.shape_cast %get3A_1208 : vector<16xi32> to vector<16xi32>
      %mul3A_1210 = arith.constant 21 : i32
      %mul3A_1211 = vector.broadcast %mul3A_1210 : i32 to vector<16xi32>
      %mul3A_1212 = arith.muli %get3A_1209, %mul3A_1211 : vector<16xi32>
      %get3A_1213 = arith.index_cast %multiple_of3A_1206 : i32 to index
      %get3A_1214 = tpu.vector_load %arg8[%get3A_1213] {strides = array<i32>} : memref<10000xi32, #tpu.memory_space<vmem>>, vector<16xi32>,
      %get3A_1215 = vector.shape_cast %get3A_1214 : vector<16xi32> to vector<16xi32>
      %mul3A_1216 = arith.constant 3 : i32
      %mul3A_1217 = vector.broadcast %mul3A_1216 : i32 to vector<16xi32>
      %mul3A_1218 = arith.muli %get3A_1215, %mul3A_1217 : vector<16xi32>
      %add3A_1219 = arith.addi %mul3A_1212, %mul3A_1218 : vector<16xi32>
      %get3A_1220 = arith.index_cast %multiple_of3A_1206 : i32 to index
      %get3A_1221 = tpu.vector_load %arg9[%get3A_1220] {strides = array<i32>} : memref<10000xi32, #tpu.memory_space<vmem>>, vector<16xi32>,
      %get3A_1222 = vector.shape_cast %get3A_1221 : vector<16xi32> to vector<16xi32>
      %add3A_1223 = arith.addi %add3A_1219, %get3A_1222 : vector<16xi32>
      %swap3A_1224 = arith.index_cast %multiple_of3A_1206 : i32 to index
      %swap3A_1225 = tpu.vector_load %arg10[%swap3A_1224] {strides = array<i32>} : memref<10000xi32, #tpu.memory_space<vmem>>, vector<16xi32>,
      %swap3A_1226 = vector.shape_cast %swap3A_1225 : vector<16xi32> to vector<16xi32>
      %swap3A_1227 = vector.shape_cast %add3A_1223 : vector<16xi32> to vector<16xi32>
      tpu.vector_store %arg10[%swap3A_1224], %swap3A_1227 {strides = array<i32>} : memref<10000xi32, #tpu.memory_space<vmem>>, vector<16xi32>,
      %sub3A_1228 = arith.constant 2 : i32
      %sub3A_1229 = arith.subi %add3A_1097, %sub3A_1228 : i32
      %mul3A_1230 = arith.constant 80 : i32
      %mul3A_1231 = arith.muli %sub3A_1229, %mul3A_1230 : i32
      %multiple_of3A_1232 = tpu.assume_multiple %mul3A_1231, 8 : i32
      %dma_wait3A_1233 = tpu.memref_slice %arg10[%multiple_of3A_1232] : memref<10000xi32, #tpu.memory_space<vmem>> -> memref<80xi32, #tpu.memory_space<vmem>>
      %dma_wait3A_1234 = arith.constant 0 : i32
      %dma_wait3A_1235 = arith.constant 0 : i32
      %dma_wait3A_1236 = tpu.memref_slice %arg16[%dma_wait3A_1234, %dma_wait3A_1235] : memref<128x128xf32, #tpu.memory_space<vmem_shared>> -> memref<128x128xf32, #tpu.memory_space<vmem_shared>>
      tpu.wait_indirect_dma semaphore(%arg19 : memref<!tpu.dma_semaphore, #tpu.memory_space<semaphore_mem>>) src(%dma_wait3A_1236 : memref<128x128xf32, #tpu.memory_space<vmem_shared>>) dst(%arg11 : memref<80x128xf32, #tpu.memory_space<vmem>>)
      %mul3A_1237 = arith.constant 80 : i32
      %mul3A_1238 = arith.muli %sub3A_1229, %mul3A_1237 : i32
      %add3A_1239 = arith.addi %multiple_of3A, %mul3A_1238 : i32
      %multiple_of3A_1240 = tpu.assume_multiple %add3A_1239, 8 : i32
      %dma_start3A_1241 = arith.constant 0 : i32
      %dma_start3A_1242 = tpu.memref_slice %arg6[%multiple_of3A_1240, %dma_start3A_1241] : memref<320000x128xf32, #tpu.memory_space<hbm>> -> memref<80x128xf32, #tpu.memory_space<hbm>>
      %dma_start3A_1243 = arith.constant 0 : i32
      %dma_start3A_1244 = tpu.memref_slice %arg6[%multiple_of3A_1240, %dma_start3A_1243] : memref<320000x128xf32, #tpu.memory_space<hbm>> -> memref<80x128xf32, #tpu.memory_space<hbm>>
      tpu.enqueue_dma source(%arg11 : memref<80x128xf32, #tpu.memory_space<vmem>>) target(%dma_start3A_1244 : memref<80x128xf32, #tpu.memory_space<hbm>>) target_semaphore(%arg24 : memref<!tpu.dma_semaphore, #tpu.memory_space<semaphore_mem>>)
      %dma_wait3A_1245 = arith.constant 0 : i32
      %dma_wait3A_1246 = tpu.memref_slice %arg6[%multiple_of3A, %dma_wait3A_1245] : memref<320000x128xf32, #tpu.memory_space<hbm>> -> memref<80x128xf32, #tpu.memory_space<hbm>>
      %dma_wait3A_1247 = arith.constant 0 : i32
      %dma_wait3A_1248 = tpu.memref_slice %arg6[%multiple_of3A, %dma_wait3A_1247] : memref<320000x128xf32, #tpu.memory_space<hbm>> -> memref<80x128xf32, #tpu.memory_space<hbm>>
      tpu.wait_dma2 semaphore(%arg26 : memref<!tpu.dma_semaphore, #tpu.memory_space<semaphore_mem>>) src(%arg13 : memref<80x128xf32, #tpu.memory_space<vmem>>) dst(%dma_wait3A_1248 : memref<80x128xf32, #tpu.memory_space<hbm>>)
      %mul3A_1249 = arith.constant 80 : i32
      %mul3A_1250 = arith.muli %add3A_1097, %mul3A_1249 : i32
      %multiple_of3A_1251 = tpu.assume_multiple %mul3A_1250, 8 : i32
      %dma_start3A_1252 = tpu.memref_slice %arg10[%multiple_of3A_1251] : memref<10000xi32, #tpu.memory_space<vmem>> -> memref<80xi32, #tpu.memory_space<vmem>>
      %dma_start3A_1253 = arith.constant 0 : i32
      %dma_start3A_1254 = arith.constant 0 : i32
      %dma_start3A_1255 = tpu.memref_slice %arg16[%dma_start3A_1253, %dma_start3A_1254] : memref<128x128xf32, #tpu.memory_space<vmem_shared>> -> memref<128x128xf32, #tpu.memory_space<vmem_shared>>
      tpu.enqueue_indirect_dma source(%dma_start3A_1255 : memref<128x128xf32, #tpu.memory_space<vmem_shared>>) target(%arg13 : memref<80x128xf32, #tpu.memory_space<vmem>>) offsets(%dma_start3A_1252 : memref<80xi32, #tpu.memory_space<vmem>>) semaphore(%arg21 : memref<!tpu.dma_semaphore, #tpu.memory_space<semaphore_mem>>)
      %add3A_1256 = arith.constant 3 : i32
      %add3A_1257 = arith.addi %add3A_776, %add3A_1256 : i32
      %mul3A_1258 = arith.constant 80 : i32
      %mul3A_1259 = arith.muli %add3A_1257, %mul3A_1258 : i32
      %add3A_1260 = arith.constant 0 : i32
      %add3A_1261 = arith.addi %mul3A_1259, %add3A_1260 : i32
      %multiple_of3A_1262 = tpu.assume_multiple %add3A_1261, 8 : i32
      %get3A_1263 = arith.index_cast %multiple_of3A_1262 : i32 to index
      %get3A_1264 = tpu.vector_load %arg7[%get3A_1263] {strides = array<i32>} : memref<10000xi32, #tpu.memory_space<vmem>>, vector<16xi32>,
      %get3A_1265 = vector.shape_cast %get3A_1264 : vector<16xi32> to vector<16xi32>
      %mul3A_1266 = arith.constant 21 : i32
      %mul3A_1267 = vector.broadcast %mul3A_1266 : i32 to vector<16xi32>
      %mul3A_1268 = arith.muli %get3A_1265, %mul3A_1267 : vector<16xi32>
      %get3A_1269 = arith.index_cast %multiple_of3A_1262 : i32 to index
      %get3A_1270 = tpu.vector_load %arg8[%get3A_1269] {strides = array<i32>} : memref<10000xi32, #tpu.memory_space<vmem>>, vector<16xi32>,
      %get3A_1271 = vector.shape_cast %get3A_1270 : vector<16xi32> to vector<16xi32>
      %mul3A_1272 = arith.constant 3 : i32
      %mul3A_1273 = vector.broadcast %mul3A_1272 : i32 to vector<16xi32>
      %mul3A_1274 = arith.muli %get3A_1271, %mul3A_1273 : vector<16xi32>
      %add3A_1275 = arith.addi %mul3A_1268, %mul3A_1274 : vector<16xi32>
      %get3A_1276 = arith.index_cast %multiple_of3A_1262 : i32 to index
      %get3A_1277 = tpu.vector_load %arg9[%get3A_1276] {strides = array<i32>} : memref<10000xi32, #tpu.memory_space<vmem>>, vector<16xi32>,
      %get3A_1278 = vector.shape_cast %get3A_1277 : vector<16xi32> to vector<16xi32>
      %add3A_1279 = arith.addi %add3A_1275, %get3A_1278 : vector<16xi32>
      %swap3A_1280 = arith.index_cast %multiple_of3A_1262 : i32 to index
      %swap3A_1281 = tpu.vector_load %arg10[%swap3A_1280] {strides = array<i32>} : memref<10000xi32, #tpu.memory_space<vmem>>, vector<16xi32>,
      %swap3A_1282 = vector.shape_cast %swap3A_1281 : vector<16xi32> to vector<16xi32>
      %swap3A_1283 = vector.shape_cast %add3A_1279 : vector<16xi32> to vector<16xi32>
      tpu.vector_store %arg10[%swap3A_1280], %swap3A_1283 {strides = array<i32>} : memref<10000xi32, #tpu.memory_space<vmem>>, vector<16xi32>,
      %mul3A_1284 = arith.constant 80 : i32
      %mul3A_1285 = arith.muli %add3A_1257, %mul3A_1284 : i32
      %add3A_1286 = arith.constant 16 : i32
      %add3A_1287 = arith.addi %mul3A_1285, %add3A_1286 : i32
      %multiple_of3A_1288 = tpu.assume_multiple %add3A_1287, 8 : i32
      %get3A_1289 = arith.index_cast %multiple_of3A_1288 : i32 to index
      %get3A_1290 = tpu.vector_load %arg7[%get3A_1289] {strides = array<i32>} : memref<10000xi32, #tpu.memory_space<vmem>>, vector<16xi32>,
      %get3A_1291 = vector.shape_cast %get3A_1290 : vector<16xi32> to vector<16xi32>
      %mul3A_1292 = arith.constant 21 : i32
      %mul3A_1293 = vector.broadcast %mul3A_1292 : i32 to vector<16xi32>
      %mul3A_1294 = arith.muli %get3A_1291, %mul3A_1293 : vector<16xi32>
      %get3A_1295 = arith.index_cast %multiple_of3A_1288 : i32 to index
      %get3A_1296 = tpu.vector_load %arg8[%get3A_1295] {strides = array<i32>} : memref<10000xi32, #tpu.memory_space<vmem>>, vector<16xi32>,
      %get3A_1297 = vector.shape_cast %get3A_1296 : vector<16xi32> to vector<16xi32>
      %mul3A_1298 = arith.constant 3 : i32
      %mul3A_1299 = vector.broadcast %mul3A_1298 : i32 to vector<16xi32>
      %mul3A_1300 = arith.muli %get3A_1297, %mul3A_1299 : vector<16xi32>
      %add3A_1301 = arith.addi %mul3A_1294, %mul3A_1300 : vector<16xi32>
      %get3A_1302 = arith.index_cast %multiple_of3A_1288 : i32 to index
      %get3A_1303 = tpu.vector_load %arg9[%get3A_1302] {strides = array<i32>} : memref<10000xi32, #tpu.memory_space<vmem>>, vector<16xi32>,
      %get3A_1304 = vector.shape_cast %get3A_1303 : vector<16xi32> to vector<16xi32>
      %add3A_1305 = arith.addi %add3A_1301, %get3A_1304 : vector<16xi32>
      %swap3A_1306 = arith.index_cast %multiple_of3A_1288 : i32 to index
      %swap3A_1307 = tpu.vector_load %arg10[%swap3A_1306] {strides = array<i32>} : memref<10000xi32, #tpu.memory_space<vmem>>, vector<16xi32>,
      %swap3A_1308 = vector.shape_cast %swap3A_1307 : vector<16xi32> to vector<16xi32>
      %swap3A_1309 = vector.shape_cast %add3A_1305 : vector<16xi32> to vector<16xi32>
      tpu.vector_store %arg10[%swap3A_1306], %swap3A_1309 {strides = array<i32>} : memref<10000xi32, #tpu.memory_space<vmem>>, vector<16xi32>,
      %mul3A_1310 = arith.constant 80 : i32
      %mul3A_1311 = arith.muli %add3A_1257, %mul3A_1310 : i32
      %add3A_1312 = arith.constant 32 : i32
      %add3A_1313 = arith.addi %mul3A_1311, %add3A_1312 : i32
      %multiple_of3A_1314 = tpu.assume_multiple %add3A_1313, 8 : i32
      %get3A_1315 = arith.index_cast %multiple_of3A_1314 : i32 to index
      %get3A_1316 = tpu.vector_load %arg7[%get3A_1315] {strides = array<i32>} : memref<10000xi32, #tpu.memory_space<vmem>>, vector<16xi32>,
      %get3A_1317 = vector.shape_cast %get3A_1316 : vector<16xi32> to vector<16xi32>
      %mul3A_1318 = arith.constant 21 : i32
      %mul3A_1319 = vector.broadcast %mul3A_1318 : i32 to vector<16xi32>
      %mul3A_1320 = arith.muli %get3A_1317, %mul3A_1319 : vector<16xi32>
      %get3A_1321 = arith.index_cast %multiple_of3A_1314 : i32 to index
      %get3A_1322 = tpu.vector_load %arg8[%get3A_1321] {strides = array<i32>} : memref<10000xi32, #tpu.memory_space<vmem>>, vector<16xi32>,
      %get3A_1323 = vector.shape_cast %get3A_1322 : vector<16xi32> to vector<16xi32>
      %mul3A_1324 = arith.constant 3 : i32
      %mul3A_1325 = vector.broadcast %mul3A_1324 : i32 to vector<16xi32>
      %mul3A_1326 = arith.muli %get3A_1323, %mul3A_1325 : vector<16xi32>
      %add3A_1327 = arith.addi %mul3A_1320, %mul3A_1326 : vector<16xi32>
      %get3A_1328 = arith.index_cast %multiple_of3A_1314 : i32 to index
      %get3A_1329 = tpu.vector_load %arg9[%get3A_1328] {strides = array<i32>} : memref<10000xi32, #tpu.memory_space<vmem>>, vector<16xi32>,
      %get3A_1330 = vector.shape_cast %get3A_1329 : vector<16xi32> to vector<16xi32>
      %add3A_1331 = arith.addi %add3A_1327, %get3A_1330 : vector<16xi32>
      %swap3A_1332 = arith.index_cast %multiple_of3A_1314 : i32 to index
      %swap3A_1333 = tpu.vector_load %arg10[%swap3A_1332] {strides = array<i32>} : memref<10000xi32, #tpu.memory_space<vmem>>, vector<16xi32>,
      %swap3A_1334 = vector.shape_cast %swap3A_1333 : vector<16xi32> to vector<16xi32>
      %swap3A_1335 = vector.shape_cast %add3A_1331 : vector<16xi32> to vector<16xi32>
      tpu.vector_store %arg10[%swap3A_1332], %swap3A_1335 {strides = array<i32>} : memref<10000xi32, #tpu.memory_space<vmem>>, vector<16xi32>,
      %mul3A_1336 = arith.constant 80 : i32
      %mul3A_1337 = arith.muli %add3A_1257, %mul3A_1336 : i32
      %add3A_1338 = arith.constant 48 : i32
      %add3A_1339 = arith.addi %mul3A_1337, %add3A_1338 : i32
      %multiple_of3A_1340 = tpu.assume_multiple %add3A_1339, 8 : i32
      %get3A_1341 = arith.index_cast %multiple_of3A_1340 : i32 to index
      %get3A_1342 = tpu.vector_load %arg7[%get3A_1341] {strides = array<i32>} : memref<10000xi32, #tpu.memory_space<vmem>>, vector<16xi32>,
      %get3A_1343 = vector.shape_cast %get3A_1342 : vector<16xi32> to vector<16xi32>
      %mul3A_1344 = arith.constant 21 : i32
      %mul3A_1345 = vector.broadcast %mul3A_1344 : i32 to vector<16xi32>
      %mul3A_1346 = arith.muli %get3A_1343, %mul3A_1345 : vector<16xi32>
      %get3A_1347 = arith.index_cast %multiple_of3A_1340 : i32 to index
      %get3A_1348 = tpu.vector_load %arg8[%get3A_1347] {strides = array<i32>} : memref<10000xi32, #tpu.memory_space<vmem>>, vector<16xi32>,
      %get3A_1349 = vector.shape_cast %get3A_1348 : vector<16xi32> to vector<16xi32>
      %mul3A_1350 = arith.constant 3 : i32
      %mul3A_1351 = vector.broadcast %mul3A_1350 : i32 to vector<16xi32>
      %mul3A_1352 = arith.muli %get3A_1349, %mul3A_1351 : vector<16xi32>
      %add3A_1353 = arith.addi %mul3A_1346, %mul3A_1352 : vector<16xi32>
      %get3A_1354 = arith.index_cast %multiple_of3A_1340 : i32 to index
      %get3A_1355 = tpu.vector_load %arg9[%get3A_1354] {strides = array<i32>} : memref<10000xi32, #tpu.memory_space<vmem>>, vector<16xi32>,
      %get3A_1356 = vector.shape_cast %get3A_1355 : vector<16xi32> to vector<16xi32>
      %add3A_1357 = arith.addi %add3A_1353, %get3A_1356 : vector<16xi32>
      %swap3A_1358 = arith.index_cast %multiple_of3A_1340 : i32 to index
      %swap3A_1359 = tpu.vector_load %arg10[%swap3A_1358] {strides = array<i32>} : memref<10000xi32, #tpu.memory_space<vmem>>, vector<16xi32>,
      %swap3A_1360 = vector.shape_cast %swap3A_1359 : vector<16xi32> to vector<16xi32>
      %swap3A_1361 = vector.shape_cast %add3A_1357 : vector<16xi32> to vector<16xi32>
      tpu.vector_store %arg10[%swap3A_1358], %swap3A_1361 {strides = array<i32>} : memref<10000xi32, #tpu.memory_space<vmem>>, vector<16xi32>,
      %mul3A_1362 = arith.constant 80 : i32
      %mul3A_1363 = arith.muli %add3A_1257, %mul3A_1362 : i32
      %add3A_1364 = arith.constant 64 : i32
      %add3A_1365 = arith.addi %mul3A_1363, %add3A_1364 : i32
      %multiple_of3A_1366 = tpu.assume_multiple %add3A_1365, 8 : i32
      %get3A_1367 = arith.index_cast %multiple_of3A_1366 : i32 to index
      %get3A_1368 = tpu.vector_load %arg7[%get3A_1367] {strides = array<i32>} : memref<10000xi32, #tpu.memory_space<vmem>>, vector<16xi32>,
      %get3A_1369 = vector.shape_cast %get3A_1368 : vector<16xi32> to vector<16xi32>
      %mul3A_1370 = arith.constant 21 : i32
      %mul3A_1371 = vector.broadcast %mul3A_1370 : i32 to vector<16xi32>
      %mul3A_1372 = arith.muli %get3A_1369, %mul3A_1371 : vector<16xi32>
      %get3A_1373 = arith.index_cast %multiple_of3A_1366 : i32 to index
      %get3A_1374 = tpu.vector_load %arg8[%get3A_1373] {strides = array<i32>} : memref<10000xi32, #tpu.memory_space<vmem>>, vector<16xi32>,
      %get3A_1375 = vector.shape_cast %get3A_1374 : vector<16xi32> to vector<16xi32>
      %mul3A_1376 = arith.constant 3 : i32
      %mul3A_1377 = vector.broadcast %mul3A_1376 : i32 to vector<16xi32>
      %mul3A_1378 = arith.muli %get3A_1375, %mul3A_1377 : vector<16xi32>
      %add3A_1379 = arith.addi %mul3A_1372, %mul3A_1378 : vector<16xi32>
      %get3A_1380 = arith.index_cast %multiple_of3A_1366 : i32 to index
      %get3A_1381 = tpu.vector_load %arg9[%get3A_1380] {strides = array<i32>} : memref<10000xi32, #tpu.memory_space<vmem>>, vector<16xi32>,
      %get3A_1382 = vector.shape_cast %get3A_1381 : vector<16xi32> to vector<16xi32>
      %add3A_1383 = arith.addi %add3A_1379, %get3A_1382 : vector<16xi32>
      %swap3A_1384 = arith.index_cast %multiple_of3A_1366 : i32 to index
      %swap3A_1385 = tpu.vector_load %arg10[%swap3A_1384] {strides = array<i32>} : memref<10000xi32, #tpu.memory_space<vmem>>, vector<16xi32>,
      %swap3A_1386 = vector.shape_cast %swap3A_1385 : vector<16xi32> to vector<16xi32>
      %swap3A_1387 = vector.shape_cast %add3A_1383 : vector<16xi32> to vector<16xi32>
      tpu.vector_store %arg10[%swap3A_1384], %swap3A_1387 {strides = array<i32>} : memref<10000xi32, #tpu.memory_space<vmem>>, vector<16xi32>,
      %sub3A_1388 = arith.constant 2 : i32
      %sub3A_1389 = arith.subi %add3A_1257, %sub3A_1388 : i32
      %mul3A_1390 = arith.constant 80 : i32
      %mul3A_1391 = arith.muli %sub3A_1389, %mul3A_1390 : i32
      %multiple_of3A_1392 = tpu.assume_multiple %mul3A_1391, 8 : i32
      %dma_wait3A_1393 = tpu.memref_slice %arg10[%multiple_of3A_1392] : memref<10000xi32, #tpu.memory_space<vmem>> -> memref<80xi32, #tpu.memory_space<vmem>>
      %dma_wait3A_1394 = arith.constant 0 : i32
      %dma_wait3A_1395 = arith.constant 0 : i32
      %dma_wait3A_1396 = tpu.memref_slice %arg16[%dma_wait3A_1394, %dma_wait3A_1395] : memref<128x128xf32, #tpu.memory_space<vmem_shared>> -> memref<128x128xf32, #tpu.memory_space<vmem_shared>>
      tpu.wait_indirect_dma semaphore(%arg20 : memref<!tpu.dma_semaphore, #tpu.memory_space<semaphore_mem>>) src(%dma_wait3A_1396 : memref<128x128xf32, #tpu.memory_space<vmem_shared>>) dst(%arg12 : memref<80x128xf32, #tpu.memory_space<vmem>>)
      %mul3A_1397 = arith.constant 80 : i32
      %mul3A_1398 = arith.muli %sub3A_1389, %mul3A_1397 : i32
      %add3A_1399 = arith.addi %multiple_of3A, %mul3A_1398 : i32
      %multiple_of3A_1400 = tpu.assume_multiple %add3A_1399, 8 : i32
      %dma_start3A_1401 = arith.constant 0 : i32
      %dma_start3A_1402 = tpu.memref_slice %arg6[%multiple_of3A_1400, %dma_start3A_1401] : memref<320000x128xf32, #tpu.memory_space<hbm>> -> memref<80x128xf32, #tpu.memory_space<hbm>>
      %dma_start3A_1403 = arith.constant 0 : i32
      %dma_start3A_1404 = tpu.memref_slice %arg6[%multiple_of3A_1400, %dma_start3A_1403] : memref<320000x128xf32, #tpu.memory_space<hbm>> -> memref<80x128xf32, #tpu.memory_space<hbm>>
      tpu.enqueue_dma source(%arg12 : memref<80x128xf32, #tpu.memory_space<vmem>>) target(%dma_start3A_1404 : memref<80x128xf32, #tpu.memory_space<hbm>>) target_semaphore(%arg25 : memref<!tpu.dma_semaphore, #tpu.memory_space<semaphore_mem>>)
      %dma_wait3A_1405 = arith.constant 0 : i32
      %dma_wait3A_1406 = tpu.memref_slice %arg6[%multiple_of3A, %dma_wait3A_1405] : memref<320000x128xf32, #tpu.memory_space<hbm>> -> memref<80x128xf32, #tpu.memory_space<hbm>>
      %dma_wait3A_1407 = arith.constant 0 : i32
      %dma_wait3A_1408 = tpu.memref_slice %arg6[%multiple_of3A, %dma_wait3A_1407] : memref<320000x128xf32, #tpu.memory_space<hbm>> -> memref<80x128xf32, #tpu.memory_space<hbm>>
      tpu.wait_dma2 semaphore(%arg27 : memref<!tpu.dma_semaphore, #tpu.memory_space<semaphore_mem>>) src(%arg14 : memref<80x128xf32, #tpu.memory_space<vmem>>) dst(%dma_wait3A_1408 : memref<80x128xf32, #tpu.memory_space<hbm>>)
      %mul3A_1409 = arith.constant 80 : i32
      %mul3A_1410 = arith.muli %add3A_1257, %mul3A_1409 : i32
      %multiple_of3A_1411 = tpu.assume_multiple %mul3A_1410, 8 : i32
      %dma_start3A_1412 = tpu.memref_slice %arg10[%multiple_of3A_1411] : memref<10000xi32, #tpu.memory_space<vmem>> -> memref<80xi32, #tpu.memory_space<vmem>>
      %dma_start3A_1413 = arith.constant 0 : i32
      %dma_start3A_1414 = arith.constant 0 : i32
      %dma_start3A_1415 = tpu.memref_slice %arg16[%dma_start3A_1413, %dma_start3A_1414] : memref<128x128xf32, #tpu.memory_space<vmem_shared>> -> memref<128x128xf32, #tpu.memory_space<vmem_shared>>
      tpu.enqueue_indirect_dma source(%dma_start3A_1415 : memref<128x128xf32, #tpu.memory_space<vmem_shared>>) target(%arg14 : memref<80x128xf32, #tpu.memory_space<vmem>>) offsets(%dma_start3A_1412 : memref<80xi32, #tpu.memory_space<vmem>>) semaphore(%arg22 : memref<!tpu.dma_semaphore, #tpu.memory_space<semaphore_mem>>)
      %add3A_1416 = arith.constant 4 : i32
      %add3A_1417 = arith.addi %add3A_776, %add3A_1416 : i32
      %mul3A_1418 = arith.constant 80 : i32
      %mul3A_1419 = arith.muli %add3A_1417, %mul3A_1418 : i32
      %add3A_1420 = arith.constant 0 : i32
      %add3A_1421 = arith.addi %mul3A_1419, %add3A_1420 : i32
      %multiple_of3A_1422 = tpu.assume_multiple %add3A_1421, 8 : i32
      %get3A_1423 = arith.index_cast %multiple_of3A_1422 : i32 to index
      %get3A_1424 = tpu.vector_load %arg7[%get3A_1423] {strides = array<i32>} : memref<10000xi32, #tpu.memory_space<vmem>>, vector<16xi32>,
      %get3A_1425 = vector.shape_cast %get3A_1424 : vector<16xi32> to vector<16xi32>
      %mul3A_1426 = arith.constant 21 : i32
      %mul3A_1427 = vector.broadcast %mul3A_1426 : i32 to vector<16xi32>
      %mul3A_1428 = arith.muli %get3A_1425, %mul3A_1427 : vector<16xi32>
      %get3A_1429 = arith.index_cast %multiple_of3A_1422 : i32 to index
      %get3A_1430 = tpu.vector_load %arg8[%get3A_1429] {strides = array<i32>} : memref<10000xi32, #tpu.memory_space<vmem>>, vector<16xi32>,
      %get3A_1431 = vector.shape_cast %get3A_1430 : vector<16xi32> to vector<16xi32>
      %mul3A_1432 = arith.constant 3 : i32
      %mul3A_1433 = vector.broadcast %mul3A_1432 : i32 to vector<16xi32>
      %mul3A_1434 = arith.muli %get3A_1431, %mul3A_1433 : vector<16xi32>
      %add3A_1435 = arith.addi %mul3A_1428, %mul3A_1434 : vector<16xi32>
      %get3A_1436 = arith.index_cast %multiple_of3A_1422 : i32 to index
      %get3A_1437 = tpu.vector_load %arg9[%get3A_1436] {strides = array<i32>} : memref<10000xi32, #tpu.memory_space<vmem>>, vector<16xi32>,
      %get3A_1438 = vector.shape_cast %get3A_1437 : vector<16xi32> to vector<16xi32>
      %add3A_1439 = arith.addi %add3A_1435, %get3A_1438 : vector<16xi32>
      %swap3A_1440 = arith.index_cast %multiple_of3A_1422 : i32 to index
      %swap3A_1441 = tpu.vector_load %arg10[%swap3A_1440] {strides = array<i32>} : memref<10000xi32, #tpu.memory_space<vmem>>, vector<16xi32>,
      %swap3A_1442 = vector.shape_cast %swap3A_1441 : vector<16xi32> to vector<16xi32>
      %swap3A_1443 = vector.shape_cast %add3A_1439 : vector<16xi32> to vector<16xi32>
      tpu.vector_store %arg10[%swap3A_1440], %swap3A_1443 {strides = array<i32>} : memref<10000xi32, #tpu.memory_space<vmem>>, vector<16xi32>,
      %mul3A_1444 = arith.constant 80 : i32
      %mul3A_1445 = arith.muli %add3A_1417, %mul3A_1444 : i32
      %add3A_1446 = arith.constant 16 : i32
      %add3A_1447 = arith.addi %mul3A_1445, %add3A_1446 : i32
      %multiple_of3A_1448 = tpu.assume_multiple %add3A_1447, 8 : i32
      %get3A_1449 = arith.index_cast %multiple_of3A_1448 : i32 to index
      %get3A_1450 = tpu.vector_load %arg7[%get3A_1449] {strides = array<i32>} : memref<10000xi32, #tpu.memory_space<vmem>>, vector<16xi32>,
      %get3A_1451 = vector.shape_cast %get3A_1450 : vector<16xi32> to vector<16xi32>
      %mul3A_1452 = arith.constant 21 : i32
      %mul3A_1453 = vector.broadcast %mul3A_1452 : i32 to vector<16xi32>
      %mul3A_1454 = arith.muli %get3A_1451, %mul3A_1453 : vector<16xi32>
      %get3A_1455 = arith.index_cast %multiple_of3A_1448 : i32 to index
      %get3A_1456 = tpu.vector_load %arg8[%get3A_1455] {strides = array<i32>} : memref<10000xi32, #tpu.memory_space<vmem>>, vector<16xi32>,
      %get3A_1457 = vector.shape_cast %get3A_1456 : vector<16xi32> to vector<16xi32>
      %mul3A_1458 = arith.constant 3 : i32
      %mul3A_1459 = vector.broadcast %mul3A_1458 : i32 to vector<16xi32>
      %mul3A_1460 = arith.muli %get3A_1457, %mul3A_1459 : vector<16xi32>
      %add3A_1461 = arith.addi %mul3A_1454, %mul3A_1460 : vector<16xi32>
      %get3A_1462 = arith.index_cast %multiple_of3A_1448 : i32 to index
      %get3A_1463 = tpu.vector_load %arg9[%get3A_1462] {strides = array<i32>} : memref<10000xi32, #tpu.memory_space<vmem>>, vector<16xi32>,
      %get3A_1464 = vector.shape_cast %get3A_1463 : vector<16xi32> to vector<16xi32>
      %add3A_1465 = arith.addi %add3A_1461, %get3A_1464 : vector<16xi32>
      %swap3A_1466 = arith.index_cast %multiple_of3A_1448 : i32 to index
      %swap3A_1467 = tpu.vector_load %arg10[%swap3A_1466] {strides = array<i32>} : memref<10000xi32, #tpu.memory_space<vmem>>, vector<16xi32>,
      %swap3A_1468 = vector.shape_cast %swap3A_1467 : vector<16xi32> to vector<16xi32>
      %swap3A_1469 = vector.shape_cast %add3A_1465 : vector<16xi32> to vector<16xi32>
      tpu.vector_store %arg10[%swap3A_1466], %swap3A_1469 {strides = array<i32>} : memref<10000xi32, #tpu.memory_space<vmem>>, vector<16xi32>,
      %mul3A_1470 = arith.constant 80 : i32
      %mul3A_1471 = arith.muli %add3A_1417, %mul3A_1470 : i32
      %add3A_1472 = arith.constant 32 : i32
      %add3A_1473 = arith.addi %mul3A_1471, %add3A_1472 : i32
      %multiple_of3A_1474 = tpu.assume_multiple %add3A_1473, 8 : i32
      %get3A_1475 = arith.index_cast %multiple_of3A_1474 : i32 to index
      %get3A_1476 = tpu.vector_load %arg7[%get3A_1475] {strides = array<i32>} : memref<10000xi32, #tpu.memory_space<vmem>>, vector<16xi32>,
      %get3A_1477 = vector.shape_cast %get3A_1476 : vector<16xi32> to vector<16xi32>
      %mul3A_1478 = arith.constant 21 : i32
      %mul3A_1479 = vector.broadcast %mul3A_1478 : i32 to vector<16xi32>
      %mul3A_1480 = arith.muli %get3A_1477, %mul3A_1479 : vector<16xi32>
      %get3A_1481 = arith.index_cast %multiple_of3A_1474 : i32 to index
      %get3A_1482 = tpu.vector_load %arg8[%get3A_1481] {strides = array<i32>} : memref<10000xi32, #tpu.memory_space<vmem>>, vector<16xi32>,
      %get3A_1483 = vector.shape_cast %get3A_1482 : vector<16xi32> to vector<16xi32>
      %mul3A_1484 = arith.constant 3 : i32
      %mul3A_1485 = vector.broadcast %mul3A_1484 : i32 to vector<16xi32>
      %mul3A_1486 = arith.muli %get3A_1483, %mul3A_1485 : vector<16xi32>
      %add3A_1487 = arith.addi %mul3A_1480, %mul3A_1486 : vector<16xi32>
      %get3A_1488 = arith.index_cast %multiple_of3A_1474 : i32 to index
      %get3A_1489 = tpu.vector_load %arg9[%get3A_1488] {strides = array<i32>} : memref<10000xi32, #tpu.memory_space<vmem>>, vector<16xi32>,
      %get3A_1490 = vector.shape_cast %get3A_1489 : vector<16xi32> to vector<16xi32>
      %add3A_1491 = arith.addi %add3A_1487, %get3A_1490 : vector<16xi32>
      %swap3A_1492 = arith.index_cast %multiple_of3A_1474 : i32 to index
      %swap3A_1493 = tpu.vector_load %arg10[%swap3A_1492] {strides = array<i32>} : memref<10000xi32, #tpu.memory_space<vmem>>, vector<16xi32>,
      %swap3A_1494 = vector.shape_cast %swap3A_1493 : vector<16xi32> to vector<16xi32>
      %swap3A_1495 = vector.shape_cast %add3A_1491 : vector<16xi32> to vector<16xi32>
      tpu.vector_store %arg10[%swap3A_1492], %swap3A_1495 {strides = array<i32>} : memref<10000xi32, #tpu.memory_space<vmem>>, vector<16xi32>,
      %mul3A_1496 = arith.constant 80 : i32
      %mul3A_1497 = arith.muli %add3A_1417, %mul3A_1496 : i32
      %add3A_1498 = arith.constant 48 : i32
      %add3A_1499 = arith.addi %mul3A_1497, %add3A_1498 : i32
      %multiple_of3A_1500 = tpu.assume_multiple %add3A_1499, 8 : i32
      %get3A_1501 = arith.index_cast %multiple_of3A_1500 : i32 to index
      %get3A_1502 = tpu.vector_load %arg7[%get3A_1501] {strides = array<i32>} : memref<10000xi32, #tpu.memory_space<vmem>>, vector<16xi32>,
      %get3A_1503 = vector.shape_cast %get3A_1502 : vector<16xi32> to vector<16xi32>
      %mul3A_1504 = arith.constant 21 : i32
      %mul3A_1505 = vector.broadcast %mul3A_1504 : i32 to vector<16xi32>
      %mul3A_1506 = arith.muli %get3A_1503, %mul3A_1505 : vector<16xi32>
      %get3A_1507 = arith.index_cast %multiple_of3A_1500 : i32 to index
      %get3A_1508 = tpu.vector_load %arg8[%get3A_1507] {strides = array<i32>} : memref<10000xi32, #tpu.memory_space<vmem>>, vector<16xi32>,
      %get3A_1509 = vector.shape_cast %get3A_1508 : vector<16xi32> to vector<16xi32>
      %mul3A_1510 = arith.constant 3 : i32
      %mul3A_1511 = vector.broadcast %mul3A_1510 : i32 to vector<16xi32>
      %mul3A_1512 = arith.muli %get3A_1509, %mul3A_1511 : vector<16xi32>
      %add3A_1513 = arith.addi %mul3A_1506, %mul3A_1512 : vector<16xi32>
      %get3A_1514 = arith.index_cast %multiple_of3A_1500 : i32 to index
      %get3A_1515 = tpu.vector_load %arg9[%get3A_1514] {strides = array<i32>} : memref<10000xi32, #tpu.memory_space<vmem>>, vector<16xi32>,
      %get3A_1516 = vector.shape_cast %get3A_1515 : vector<16xi32> to vector<16xi32>
      %add3A_1517 = arith.addi %add3A_1513, %get3A_1516 : vector<16xi32>
      %swap3A_1518 = arith.index_cast %multiple_of3A_1500 : i32 to index
      %swap3A_1519 = tpu.vector_load %arg10[%swap3A_1518] {strides = array<i32>} : memref<10000xi32, #tpu.memory_space<vmem>>, vector<16xi32>,
      %swap3A_1520 = vector.shape_cast %swap3A_1519 : vector<16xi32> to vector<16xi32>
      %swap3A_1521 = vector.shape_cast %add3A_1517 : vector<16xi32> to vector<16xi32>
      tpu.vector_store %arg10[%swap3A_1518], %swap3A_1521 {strides = array<i32>} : memref<10000xi32, #tpu.memory_space<vmem>>, vector<16xi32>,
      %mul3A_1522 = arith.constant 80 : i32
      %mul3A_1523 = arith.muli %add3A_1417, %mul3A_1522 : i32
      %add3A_1524 = arith.constant 64 : i32
      %add3A_1525 = arith.addi %mul3A_1523, %add3A_1524 : i32
      %multiple_of3A_1526 = tpu.assume_multiple %add3A_1525, 8 : i32
      %get3A_1527 = arith.index_cast %multiple_of3A_1526 : i32 to index
      %get3A_1528 = tpu.vector_load %arg7[%get3A_1527] {strides = array<i32>} : memref<10000xi32, #tpu.memory_space<vmem>>, vector<16xi32>,
      %get3A_1529 = vector.shape_cast %get3A_1528 : vector<16xi32> to vector<16xi32>
      %mul3A_1530 = arith.constant 21 : i32
      %mul3A_1531 = vector.broadcast %mul3A_1530 : i32 to vector<16xi32>
      %mul3A_1532 = arith.muli %get3A_1529, %mul3A_1531 : vector<16xi32>
      %get3A_1533 = arith.index_cast %multiple_of3A_1526 : i32 to index
      %get3A_1534 = tpu.vector_load %arg8[%get3A_1533] {strides = array<i32>} : memref<10000xi32, #tpu.memory_space<vmem>>, vector<16xi32>,
      %get3A_1535 = vector.shape_cast %get3A_1534 : vector<16xi32> to vector<16xi32>
      %mul3A_1536 = arith.constant 3 : i32
      %mul3A_1537 = vector.broadcast %mul3A_1536 : i32 to vector<16xi32>
      %mul3A_1538 = arith.muli %get3A_1535, %mul3A_1537 : vector<16xi32>
      %add3A_1539 = arith.addi %mul3A_1532, %mul3A_1538 : vector<16xi32>
      %get3A_1540 = arith.index_cast %multiple_of3A_1526 : i32 to index
      %get3A_1541 = tpu.vector_load %arg9[%get3A_1540] {strides = array<i32>} : memref<10000xi32, #tpu.memory_space<vmem>>, vector<16xi32>,
      %get3A_1542 = vector.shape_cast %get3A_1541 : vector<16xi32> to vector<16xi32>
      %add3A_1543 = arith.addi %add3A_1539, %get3A_1542 : vector<16xi32>
      %swap3A_1544 = arith.index_cast %multiple_of3A_1526 : i32 to index
      %swap3A_1545 = tpu.vector_load %arg10[%swap3A_1544] {strides = array<i32>} : memref<10000xi32, #tpu.memory_space<vmem>>, vector<16xi32>,
      %swap3A_1546 = vector.shape_cast %swap3A_1545 : vector<16xi32> to vector<16xi32>
      %swap3A_1547 = vector.shape_cast %add3A_1543 : vector<16xi32> to vector<16xi32>
      tpu.vector_store %arg10[%swap3A_1544], %swap3A_1547 {strides = array<i32>} : memref<10000xi32, #tpu.memory_space<vmem>>, vector<16xi32>,
      %sub3A_1548 = arith.constant 2 : i32
      %sub3A_1549 = arith.subi %add3A_1417, %sub3A_1548 : i32
      %mul3A_1550 = arith.constant 80 : i32
      %mul3A_1551 = arith.muli %sub3A_1549, %mul3A_1550 : i32
      %multiple_of3A_1552 = tpu.assume_multiple %mul3A_1551, 8 : i32
      %dma_wait3A_1553 = tpu.memref_slice %arg10[%multiple_of3A_1552] : memref<10000xi32, #tpu.memory_space<vmem>> -> memref<80xi32, #tpu.memory_space<vmem>>
      %dma_wait3A_1554 = arith.constant 0 : i32
      %dma_wait3A_1555 = arith.constant 0 : i32
      %dma_wait3A_1556 = tpu.memref_slice %arg16[%dma_wait3A_1554, %dma_wait3A_1555] : memref<128x128xf32, #tpu.memory_space<vmem_shared>> -> memref<128x128xf32, #tpu.memory_space<vmem_shared>>
      tpu.wait_indirect_dma semaphore(%arg21 : memref<!tpu.dma_semaphore, #tpu.memory_space<semaphore_mem>>) src(%dma_wait3A_1556 : memref<128x128xf32, #tpu.memory_space<vmem_shared>>) dst(%arg13 : memref<80x128xf32, #tpu.memory_space<vmem>>)
      %mul3A_1557 = arith.constant 80 : i32
      %mul3A_1558 = arith.muli %sub3A_1549, %mul3A_1557 : i32
      %add3A_1559 = arith.addi %multiple_of3A, %mul3A_1558 : i32
      %multiple_of3A_1560 = tpu.assume_multiple %add3A_1559, 8 : i32
      %dma_start3A_1561 = arith.constant 0 : i32
      %dma_start3A_1562 = tpu.memref_slice %arg6[%multiple_of3A_1560, %dma_start3A_1561] : memref<320000x128xf32, #tpu.memory_space<hbm>> -> memref<80x128xf32, #tpu.memory_space<hbm>>
      %dma_start3A_1563 = arith.constant 0 : i32
      %dma_start3A_1564 = tpu.memref_slice %arg6[%multiple_of3A_1560, %dma_start3A_1563] : memref<320000x128xf32, #tpu.memory_space<hbm>> -> memref<80x128xf32, #tpu.memory_space<hbm>>
      tpu.enqueue_dma source(%arg13 : memref<80x128xf32, #tpu.memory_space<vmem>>) target(%dma_start3A_1564 : memref<80x128xf32, #tpu.memory_space<hbm>>) target_semaphore(%arg26 : memref<!tpu.dma_semaphore, #tpu.memory_space<semaphore_mem>>)
      %dma_wait3A_1565 = arith.constant 0 : i32
      %dma_wait3A_1566 = tpu.memref_slice %arg6[%multiple_of3A, %dma_wait3A_1565] : memref<320000x128xf32, #tpu.memory_space<hbm>> -> memref<80x128xf32, #tpu.memory_space<hbm>>
      %dma_wait3A_1567 = arith.constant 0 : i32
      %dma_wait3A_1568 = tpu.memref_slice %arg6[%multiple_of3A, %dma_wait3A_1567] : memref<320000x128xf32, #tpu.memory_space<hbm>> -> memref<80x128xf32, #tpu.memory_space<hbm>>
      tpu.wait_dma2 semaphore(%arg28 : memref<!tpu.dma_semaphore, #tpu.memory_space<semaphore_mem>>) src(%arg15 : memref<80x128xf32, #tpu.memory_space<vmem>>) dst(%dma_wait3A_1568 : memref<80x128xf32, #tpu.memory_space<hbm>>)
      %mul3A_1569 = arith.constant 80 : i32
      %mul3A_1570 = arith.muli %add3A_1417, %mul3A_1569 : i32
      %multiple_of3A_1571 = tpu.assume_multiple %mul3A_1570, 8 : i32
      %dma_start3A_1572 = tpu.memref_slice %arg10[%multiple_of3A_1571] : memref<10000xi32, #tpu.memory_space<vmem>> -> memref<80xi32, #tpu.memory_space<vmem>>
      %dma_start3A_1573 = arith.constant 0 : i32
      %dma_start3A_1574 = arith.constant 0 : i32
      %dma_start3A_1575 = tpu.memref_slice %arg16[%dma_start3A_1573, %dma_start3A_1574] : memref<128x128xf32, #tpu.memory_space<vmem_shared>> -> memref<128x128xf32, #tpu.memory_space<vmem_shared>>
      tpu.enqueue_indirect_dma source(%dma_start3A_1575 : memref<128x128xf32, #tpu.memory_space<vmem_shared>>) target(%arg15 : memref<80x128xf32, #tpu.memory_space<vmem>>) offsets(%dma_start3A_1572 : memref<80xi32, #tpu.memory_space<vmem>>) semaphore(%arg23 : memref<!tpu.dma_semaphore, #tpu.memory_space<semaphore_mem>>)
    }
    %scan3A_725 = arith.constant 24 : i32
    %multiple_of3A_726 = arith.constant 9840 : i32
    %multiple_of3A_727 = tpu.assume_multiple %multiple_of3A_726, 8 : i32
    %dma_wait3A_728 = tpu.memref_slice %arg10[%multiple_of3A_727] : memref<10000xi32, #tpu.memory_space<vmem>> -> memref<80xi32, #tpu.memory_space<vmem>>
    %dma_wait3A_729 = arith.constant 0 : i32
    %dma_wait3A_730 = arith.constant 0 : i32
    %dma_wait3A_731 = tpu.memref_slice %arg16[%dma_wait3A_729, %dma_wait3A_730] : memref<128x128xf32, #tpu.memory_space<vmem_shared>> -> memref<128x128xf32, #tpu.memory_space<vmem_shared>>
    tpu.wait_indirect_dma semaphore(%arg22 : memref<!tpu.dma_semaphore, #tpu.memory_space<semaphore_mem>>) src(%dma_wait3A_731 : memref<128x128xf32, #tpu.memory_space<vmem_shared>>) dst(%arg14 : memref<80x128xf32, #tpu.memory_space<vmem>>)
    %add3A_732 = arith.constant 9840 : i32
    %add3A_733 = arith.addi %multiple_of3A, %add3A_732 : i32
    %multiple_of3A_734 = tpu.assume_multiple %add3A_733, 8 : i32
    %dma_start3A_735 = arith.constant 0 : i32
    %dma_start3A_736 = tpu.memref_slice %arg6[%multiple_of3A_734, %dma_start3A_735] : memref<320000x128xf32, #tpu.memory_space<hbm>> -> memref<80x128xf32, #tpu.memory_space<hbm>>
    %dma_start3A_737 = arith.constant 0 : i32
    %dma_start3A_738 = tpu.memref_slice %arg6[%multiple_of3A_734, %dma_start3A_737] : memref<320000x128xf32, #tpu.memory_space<hbm>> -> memref<80x128xf32, #tpu.memory_space<hbm>>
    tpu.enqueue_dma source(%arg14 : memref<80x128xf32, #tpu.memory_space<vmem>>) target(%dma_start3A_738 : memref<80x128xf32, #tpu.memory_space<hbm>>) target_semaphore(%arg27 : memref<!tpu.dma_semaphore, #tpu.memory_space<semaphore_mem>>)
    %multiple_of3A_739 = arith.constant 9920 : i32
    %multiple_of3A_740 = tpu.assume_multiple %multiple_of3A_739, 8 : i32
    %dma_wait3A_741 = tpu.memref_slice %arg10[%multiple_of3A_740] : memref<10000xi32, #tpu.memory_space<vmem>> -> memref<80xi32, #tpu.memory_space<vmem>>
    %dma_wait3A_742 = arith.constant 0 : i32
    %dma_wait3A_743 = arith.constant 0 : i32
    %dma_wait3A_744 = tpu.memref_slice %arg16[%dma_wait3A_742, %dma_wait3A_743] : memref<128x128xf32, #tpu.memory_space<vmem_shared>> -> memref<128x128xf32, #tpu.memory_space<vmem_shared>>
    tpu.wait_indirect_dma semaphore(%arg23 : memref<!tpu.dma_semaphore, #tpu.memory_space<semaphore_mem>>) src(%dma_wait3A_744 : memref<128x128xf32, #tpu.memory_space<vmem_shared>>) dst(%arg15 : memref<80x128xf32, #tpu.memory_space<vmem>>)
    %add3A_745 = arith.constant 9920 : i32
    %add3A_746 = arith.addi %multiple_of3A, %add3A_745 : i32
    %multiple_of3A_747 = tpu.assume_multiple %add3A_746, 8 : i32
    %dma_start3A_748 = arith.constant 0 : i32
    %dma_start3A_749 = tpu.memref_slice %arg6[%multiple_of3A_747, %dma_start3A_748] : memref<320000x128xf32, #tpu.memory_space<hbm>> -> memref<80x128xf32, #tpu.memory_space<hbm>>
    %dma_start3A_750 = arith.constant 0 : i32
    %dma_start3A_751 = tpu.memref_slice %arg6[%multiple_of3A_747, %dma_start3A_750] : memref<320000x128xf32, #tpu.memory_space<hbm>> -> memref<80x128xf32, #tpu.memory_space<hbm>>
    tpu.enqueue_dma source(%arg15 : memref<80x128xf32, #tpu.memory_space<vmem>>) target(%dma_start3A_751 : memref<80x128xf32, #tpu.memory_space<hbm>>) target_semaphore(%arg28 : memref<!tpu.dma_semaphore, #tpu.memory_space<semaphore_mem>>)
    %dma_wait3A_752 = arith.constant 0 : i32
    %dma_wait3A_753 = tpu.memref_slice %arg6[%multiple_of3A, %dma_wait3A_752] : memref<320000x128xf32, #tpu.memory_space<hbm>> -> memref<80x128xf32, #tpu.memory_space<hbm>>
    %dma_wait3A_754 = arith.constant 0 : i32
    %dma_wait3A_755 = tpu.memref_slice %arg6[%multiple_of3A, %dma_wait3A_754] : memref<320000x128xf32, #tpu.memory_space<hbm>> -> memref<80x128xf32, #tpu.memory_space<hbm>>
    tpu.wait_dma2 semaphore(%arg24 : memref<!tpu.dma_semaphore, #tpu.memory_space<semaphore_mem>>) src(%arg11 : memref<80x128xf32, #tpu.memory_space<vmem>>) dst(%dma_wait3A_755 : memref<80x128xf32, #tpu.memory_space<hbm>>)
    %dma_wait3A_756 = arith.constant 0 : i32
    %dma_wait3A_757 = tpu.memref_slice %arg6[%multiple_of3A, %dma_wait3A_756] : memref<320000x128xf32, #tpu.memory_space<hbm>> -> memref<80x128xf32, #tpu.memory_space<hbm>>
    %dma_wait3A_758 = arith.constant 0 : i32
    %dma_wait3A_759 = tpu.memref_slice %arg6[%multiple_of3A, %dma_wait3A_758] : memref<320000x128xf32, #tpu.memory_space<hbm>> -> memref<80x128xf32, #tpu.memory_space<hbm>>
    tpu.wait_dma2 semaphore(%arg25 : memref<!tpu.dma_semaphore, #tpu.memory_space<semaphore_mem>>) src(%arg12 : memref<80x128xf32, #tpu.memory_space<vmem>>) dst(%dma_wait3A_759 : memref<80x128xf32, #tpu.memory_space<hbm>>)
    %dma_wait3A_760 = arith.constant 0 : i32
    %dma_wait3A_761 = tpu.memref_slice %arg6[%multiple_of3A, %dma_wait3A_760] : memref<320000x128xf32, #tpu.memory_space<hbm>> -> memref<80x128xf32, #tpu.memory_space<hbm>>
    %dma_wait3A_762 = arith.constant 0 : i32
    %dma_wait3A_763 = tpu.memref_slice %arg6[%multiple_of3A, %dma_wait3A_762] : memref<320000x128xf32, #tpu.memory_space<hbm>> -> memref<80x128xf32, #tpu.memory_space<hbm>>
    tpu.wait_dma2 semaphore(%arg26 : memref<!tpu.dma_semaphore, #tpu.memory_space<semaphore_mem>>) src(%arg13 : memref<80x128xf32, #tpu.memory_space<vmem>>) dst(%dma_wait3A_763 : memref<80x128xf32, #tpu.memory_space<hbm>>)
    %dma_wait3A_764 = arith.constant 0 : i32
    %dma_wait3A_765 = tpu.memref_slice %arg6[%multiple_of3A, %dma_wait3A_764] : memref<320000x128xf32, #tpu.memory_space<hbm>> -> memref<80x128xf32, #tpu.memory_space<hbm>>
    %dma_wait3A_766 = arith.constant 0 : i32
    %dma_wait3A_767 = tpu.memref_slice %arg6[%multiple_of3A, %dma_wait3A_766] : memref<320000x128xf32, #tpu.memory_space<hbm>> -> memref<80x128xf32, #tpu.memory_space<hbm>>
    tpu.wait_dma2 semaphore(%arg27 : memref<!tpu.dma_semaphore, #tpu.memory_space<semaphore_mem>>) src(%arg14 : memref<80x128xf32, #tpu.memory_space<vmem>>) dst(%dma_wait3A_767 : memref<80x128xf32, #tpu.memory_space<hbm>>)
    %dma_wait3A_768 = arith.constant 0 : i32
    %dma_wait3A_769 = tpu.memref_slice %arg6[%multiple_of3A, %dma_wait3A_768] : memref<320000x128xf32, #tpu.memory_space<hbm>> -> memref<80x128xf32, #tpu.memory_space<hbm>>
    %dma_wait3A_770 = arith.constant 0 : i32
    %dma_wait3A_771 = tpu.memref_slice %arg6[%multiple_of3A, %dma_wait3A_770] : memref<320000x128xf32, #tpu.memory_space<hbm>> -> memref<80x128xf32, #tpu.memory_space<hbm>>
    tpu.wait_dma2 semaphore(%arg28 : memref<!tpu.dma_semaphore, #tpu.memory_space<semaphore_mem>>) src(%arg15 : memref<80x128xf32, #tpu.memory_space<vmem>>) dst(%dma_wait3A_771 : memref<80x128xf32, #tpu.memory_space<hbm>>)
    return
  }
}

</mosaic_0001>

<sc_bundles>
// kernel: kernel.3.cloned.1.call-start
scs
__scs_entry_jumppad:
0x0: {  	(pc) =	sbr.rel $0x88, $3  }
0x1: {  	(tag) =	ssettag $0x0;
	lr =	simm.s32 $0x1  }
0x2: {  	[smem:$0x3F9D] =	sst lr;
	_ =	strace $0xD0000000  }
0x3: {  	_ = 	snop  }
0x4: {  	_ = 	snop  }
0x5: {  	_ = 	snop  }
0x6: {  	_ = 	snop  }
0x7: {  	_ = 	snop  }
__scs_overlays_trampoline_lowered:
0x8: {  	[smem:$0x3FAC] =	sst s0  }
0x9: {  	[smem:$0x3FAD] =	sst s1  }
0xa: {  	[smem:$0x3FAE] =	sst s2  }
0xb: {  	[smem:$0x3FAF] =	sst s3  }
0xc: {  	[smem:$0x3FB0] =	sst s4  }
0xd: {  	[smem:$0x3FB1] =	sst s5  }
0xe: {  	[smem:$0x3FB2] =	sst s6  }
0xf: {  	[smem:$0x3FB3] =	sst s7  }
0x10: {  	[smem:$0x3FB4] =	sst s8  }
0x11: {  	[smem:$0x3FB5] =	sst s9;
	s0 =	simm.s32 @!p0 $0x0  }
0x12: {  	s1 =	sld [smem:$0x3F9B];
	s0 =	simm.s32 @p0 $0x1  }
0x13: {  	[smem:$0x3FB6] =	sst s0;
	s0 =	simm.s32 @!p1 $0x0  }
0x14: {  	s2 =	sld [smem:$0x3F9A];
	s0 =	simm.s32 @p1 $0x1  }
0x15: {  	[smem:$0x3FB7] =	sst s0;
	s0 =	simm.s32 @!p2 $0x0  }
0x16: {  	s3 =	sld [smem:$0x3FDB];
	s0 =	simm.s32 @p2 $0x1  }
0x17: {  	s4 =	simm.s32 $0x1BF5;
	[smem:$0x3FB9] =	sst s0  }
0x18: {  	s0 =	sld [smem:$0x3F9C];
	_ =	swait.ge [sflag:s4], $0x0  }
0x19: {  	s7 =	sld [smem:$0x3F9D]  }
0x1a: {  	s8 =	sadd.s32 $0xFFFFE003, lr  }
0x1b: {  	s9 =	sadd.s32 $0xFFFFFEF7, lr;
	s5 =	simm.s32 $0xFFFFFFFF;
	p2 =	slt.u32 s8, $0xFFFFF086  }
0x1c: {  	p1 =	slt.u32 s9, $0xF7A;
	s5 =	simm.s32 @!p2 $0x0  }
0x1d: {  	s5 =	simm.s32 @p1 $0x1;
	p0 =	seq.s32 s7, s2  }
0x1e: {  	s7 =	smul.u32 @!p0 $0xF7A, s2;
	p2 =	seq.s32 @!p0 s5, $0x0  }
0x1f: {  	s9 =	smul.u32 $0xF7A, s1;
	s8 =	simm.s32 @!p0 $0x1BF5;
	p2 =	por !p2, p0  }
0x20: {  	[sflag:s8] =	ssyncset.s32 @!p0 $0xFFFFF086;
	s6 =	sadd.s32 @!p0 s3, s7;
	s7 =	simm.s32 @!p0 $0x108  }
0x21: {  	s3 =	sadd.s32 s3, s9;
	s6 =	sadd.s32 @!p0 $0x88, s6;
	s7 =	simm.s32 @p2 $0x1082  }
0x22: {  	[simem:s7], [sflag:s8] =	dma.local @!p0 [hbm:s6], $0xF7A  }
0x23: {  	s9 =	sor.u32 $0xD0000000, s2;
	s6 =	simm.s32 $0x108;
	_ =	swait.ge @!p0 [sflag:s8], $0x0  }
0x24: {  	s3 =	sadd.s32 $0x88, s3;
	s6 =	simm.s32 @!p1 $0x1082;
	[sflag:s4] =	ssyncset.s32 $0xFFFFF086  }
0x25: {  	[simem:s6], [sflag:s4] =	dma.local [hbm:s3], $0xF7A  }
0x26: {  	[smem:$0x3F9D] =	sst s1;
	(tag) =	ssettag s2;
	_ =	strace s9  }
0x27: {  	s1 =	sld [smem:$0x3FAD]  }
0x28: {  	s2 =	sld [smem:$0x3FAE]  }
0x29: {  	s4 =	sld [smem:$0x3FB0]  }
0x2a: {  	p0 =	seq.s32 s5, $0x0;
	s5 =	sld [smem:$0x3FB1]  }
0x2b: {  	s6 =	sld [smem:$0x3FB2]  }
0x2c: {  	s7 =	sld [smem:$0x3FB3]  }
0x2d: {  	s3 =	simm.s32 $0x108;
	s8 =	sld [smem:$0x3FB4]  }
0x2e: {  	s3 =	simm.s32 @!p0 $0x1082;
	s9 =	sld [smem:$0x3FB5]  }
0x2f: {  	lr =	sadd.s32 s0, s3;
	s0 =	sld [smem:$0x3FAC]  }
0x30: {  	s3 =	sld [smem:$0x3FAF]  }
0x31: {  	[smem:$0x3FB8] =	sst s10  }
0x32: {  	s10 =	sld [smem:$0x3FB6];
	_ =	sdelay $0x3  }
0x33: {  	p0 =	seq.s32 s10, $0x1;
	s10 =	sld [smem:$0x3FB8];
	_ =	sdelay $0x3  }
0x34: {  	[smem:$0x3FB8] =	sst s10  }
0x35: {  	s10 =	sld [smem:$0x3FB7];
	_ =	sdelay $0x3  }
0x36: {  	p1 =	seq.s32 s10, $0x1;
	s10 =	sld [smem:$0x3FB8];
	_ =	sdelay $0x3  }
0x37: {  	[smem:$0x3FB8] =	sst s10  }
0x38: {  	s10 =	sld [smem:$0x3FB9]  }
0x39: {  	_ = 	snop;
	(pc) =	sbr.ind lr, $3  }
0x3a: {  	_ = 	snop  }
0x3b: {  	_ = 	snop  }
0x3c: {  	p2 =	seq.s32 s10, $0x1;
	s10 =	sld [smem:$0x3FB8]  }
0x3d: {  	_ =	shalt  }
0x3e: {  	_ =	shalt  }
0x3f: {  	_ =	shalt  }
0x40: {  	_ =	shalt  }
0x41: {  	_ =	shalt  }
0x42: {  	_ =	shalt  }
0x43: {  	_ =	shalt  }
0x44: {  	_ =	shalt  }
0x45: {  	_ =	shalt  }
0x46: {  	_ =	shalt  }
0x47: {  	_ =	shalt  }
0x48: {  	_ =	shalt  }
0x49: {  	_ =	shalt  }
0x4a: {  	_ =	shalt  }
0x4b: {  	_ =	shalt  }
0x4c: {  	_ =	shalt  }
0x4d: {  	_ =	shalt  }
0x4e: {  	_ =	shalt  }
0x4f: {  	_ =	shalt  }
0x50: {  	_ =	shalt  }
0x51: {  	_ =	shalt  }
0x52: {  	_ =	shalt  }
0x53: {  	_ =	shalt  }
0x54: {  	_ =	shalt  }
0x55: {  	_ =	shalt  }
0x56: {  	_ =	shalt  }
0x57: {  	_ =	shalt  }
0x58: {  	_ =	shalt  }
0x59: {  	_ =	shalt  }
0x5a: {  	_ =	shalt  }
0x5b: {  	_ =	shalt  }
0x5c: {  	_ =	shalt  }
0x5d: {  	_ =	shalt  }
0x5e: {  	_ =	shalt  }
0x5f: {  	_ =	shalt  }
0x60: {  	_ =	shalt  }
0x61: {  	_ =	shalt  }
0x62: {  	_ =	shalt  }
0x63: {  	_ =	shalt  }
0x64: {  	_ =	shalt  }
0x65: {  	_ =	shalt  }
0x66: {  	_ =	shalt  }
0x67: {  	_ =	shalt  }
0x68: {  	_ =	shalt  }
0x69: {  	_ =	shalt  }
0x6a: {  	_ =	shalt  }
0x6b: {  	_ =	shalt  }
0x6c: {  	_ =	shalt  }
0x6d: {  	_ =	shalt  }
0x6e: {  	_ =	shalt  }
0x6f: {  	_ =	shalt  }
0x70: {  	_ =	shalt  }
0x71: {  	_ =	shalt  }
0x72: {  	_ =	shalt  }
0x73: {  	_ =	shalt  }
0x74: {  	_ =	shalt  }
0x75: {  	_ =	shalt  }
0x76: {  	_ =	shalt  }
0x77: {  	_ =	shalt  }
0x78: {  	_ =	shalt  }
0x79: {  	_ =	shalt  }
0x7a: {  	_ =	shalt  }
0x7b: {  	_ =	shalt  }
0x7c: {  	_ =	shalt  }
0x7d: {  	_ =	shalt  }
0x7e: {  	_ =	shalt  }
0x7f: {  	_ =	shalt  }
0x80: {  	_ =	shalt  }
0x81: {  	_ =	shalt  }
0x82: {  	_ =	shalt  }
0x83: {  	_ =	shalt  }
0x84: {  	_ =	shalt  }
0x85: {  	_ =	shalt  }
0x86: {  	_ =	shalt  }
0x87: {  	_ =	shalt  }
.Lfunc_end0:
.L_simem_size_0:
called_computation_lowered:
.L_overlay_start_0:
0x88: {  	s2 =	sld [smem:$0x3FD9]  }
0x89: {  	s3 =	sld [smem:$0x3FFE];
	_ =	sdelay $0x1  }
0x8a: {  	s1 =	srdreg.scid  }
0x8b: {  	s0 =	sand.u32 $0x1, s1  }
0x8c: {  	s17 =	sshll.u32 s0, $0xA;
	s2 =	sadd.s32 s3, s2  }
0x8d: {  	s2 =	sadd.s32 s2, s17  }
0x8e: {  	[smem:$0x3FC4] =	sst s2  }
0x8f: {  	_ = 	snop  }
0x90: {  	s2 =	sld [smem:$0x3FD0];
	(tm) =	ssettm $0x1  }
0x91: {  	s18 =	sld [smem:$0x3FFB];
	_ =	sdelay $0x3  }
0x92: {  	_ =	strace s18  }
0x93: {  	s3 =	sld [smem:$0x3FFC];
	_ =	sdelay $0x3  }
0x94: {  	_ =	strace s3  }
0x95: {  	s3 =	sld [smem:$0x3FFD];
	_ =	sdelay $0x3  }
0x96: {  	_ =	strace s3  }
0x97: {  	_ =	strace $0x8FFFFFFF  }
0x98: {  	s19 =	sld [smem:$0x3FDB];
	_ =	sdelay $0x1  }
0x99: {  	s4 =	simm.s32 $_scs_section_size  }
0x9a: {  	s5 =	simm.s32 $_size__tile_overlayer_lowered;
	s6 =	simm.s32 $_tile_overlayer_lowered  }
0x9b: {  	s22 =	simm.s32 $0x1BFF;
	s21 =	sshll.u32 s6, $0x1;
	s3 =	sadd.s32 s4, s19  }
0x9c: {  	s7 =	simm.s32 $0x0;
	s20 =	sshll.u32 s5, $0x1;
	s5 =	sadd.s32 s21, s3  }
0x9d: {  	[timem:s7], [sflag:s22] =	dma.local [hbm:s5], s20  }
0x9e: {  	_ =	swait.ge [sflag:s22], s20  }
0x9f: {  	s4 =	ssub.s32 $0x0, s20;
	[sflag:s22] =	ssyncset.done $0x0  }
0xa0: {  	[sflag:s22] =	ssyncadd.s32 s4;
	_ =	sdelay $0x1  }
0xa1: {  	s23 =	simm.s32 $0x1B8B  }
0xa2: {  	_ =	swait.ge [sflag:s23], $0x1  }
0xa3: {  	[sflag:s23] =	ssyncset.done $0x0  }
0xa4: {  	s25 =	simm.s32 $0x1B8E;
	s24 =	sld [smem:$0x3FFE];
	[sflag:s23] =	ssyncadd.s32 $0xFFFFFFFF  }
0xa5: {  	s26 =	simm.s32 $execute0_lowered;
	[smem:$0x3FD2] =	sst s25  }
0xa6: {  	s5 =	sshll.u32 s26, $0x1;
	_ =	strace $0x80000046;
	[dreg:$0x1] =	wrdreg $0xFFFFFFFF  }
0xa7: {  	s28 =	simm.s32 $_size_execute0_lowered;
	s3 =	sadd.s32 s3, s5;
	[dreg:$0x0] =	wrdreg $0x0  }
0xa8: {  	s5 =	sshll.u32 s28, $0x1;
	[dreg:$0x2] =	wrdreg s3  }
0xa9: {  	[dreg:$0x3] =	wrdreg s5  }
0xaa: {  	[dreg:$0x4] =	wrdreg $0xC0  }
0xab: {  	_ =	task [dreg:s7], $0x5FFFF  }
0xac: {  	[dreg:$0x1] =	wrdreg $0xFFFFFFFF  }
0xad: {  	[dreg:$0x0] =	wrdreg $0x60  }
0xae: {  	[dreg:$0x2] =	wrdreg s24  }
0xaf: {  	[dreg:$0x3] =	wrdreg s2  }
0xb0: {  	[dreg:$0x4] =	wrdreg $0x166000  }
0xb1: {  	[dreg:$0x5] =	wrdreg $0x9  }
0xb2: {  	_ =	task.clear_ibuf [dreg:s7], $0x6FFFF;
	_ =	strace $0x90000046  }
0xb3: {  	s29 =	simm.s32 $0x9;
	_ =	strace $0x80000048  }
0xb4: {  	_ =	swait.ge [sflag:s29], $0x1  }
0xb5: {  	[sflag:s29] =	ssyncadd.s32 $0xFFFFFFFF  }
0xb6: {  	_ =	strace $0x90000048  }
0xb7: {  	_ =	sfence  }
0xb8: {  	s30 =	sld [smem:$0x0];
	_ =	sdelay $0x2  }
0xb9: {  	s31 =	sshll.u32 s1, $0xD;
	s1 =	sshrl.u32 s1, $0x2  }
0xba: {  	s3 =	sand.u32 $0x4000, s31;
	s1 =	sadd.s32 s1, s30  }
0xbb: {  	s0 =	sor.u32 s3, s0;
	s1 =	sshll.u32 s1, $0x11  }
0xbc: {  	s0 =	sor.u32 s1, s0  }
0xbd: {  	s0 =	sadd.s32 $0x8F2B, s0  }
0xbe: {  	[sflag:s0] =	ssyncadd.remote.s32 $0x1  }
0xbf: {  	_ =	sfence.sel $0xFFFF  }
0xc0: {  	[dreg:$0x0] =	wrdreg $0xFFFFFFFF;
	(pc) =	sbr.abs _section_cstart, $3  }
0xc1: {  	[dreg:$0x1] =	wrdreg $0xFFFFFFFF  }
0xc2: {  	_ =	task.clear_ibuf [dreg:s7], $0x2FFFF;
	_ =	strace $0x9FFFFFFF  }
0xc3: {  	(tm) =	ssettm $0x7FFFFFFF  }
tec
execute0_lowered:
.L_overlay_start_1:
0x0: {  	(tag) =	ssettag $0x1  }
0x1: {  	s0 =	rddreg [dreg:$0x0]  }
0x2: {  	s1 =	rddreg [dreg:$0x1]  }
0x3: {  	s2 =	rddreg [dreg:$0x2];
	s12 =	stileid.u32  }
0x4: {  	s4 =	srdreg.scid;
	s3 =	simm.s32 $0x0;
	s28 =	simm.s32 $0x50  }
0x5: {  	s30 =	simm.s32 $0x9E00;
	s31 =	simm.s32 $0x13E00;
	s29 =	simm.s32 $0x6  }
0x6: {  	s4 =	sand.u32 $0x1, s4;
	s5 =	sshll.u32 s12, $0x1;
	[smem:$0x7FF] =	sst s3  }
0x7: {  	s7 =	sadd.s32 $0x13C00, s0;
	s8 =	sadd.s32 $0x9E00, s0;
	s22 =	smul.u32 $0x4E200, s12  }
0x8: {  	s5 =	sor.u32 s4, s5;
	s9 =	ssub.s32 $0x2, s4;
	s4 =	smul.u32 $0x27100, s4  }
0x9: {  	s10 =	sshll.u32 s12, $0x7;
	s17 =	sshll.u32 s12, $0xA;
	s6 =	smul.u32 $0x2710, s5  }
0xa: {  	s21 =	sshll.u32 s12, $0x6;
	_ =	strace $0x80000047;
	s19 =	smul.u32 $0x138800, s5  }
0xb: {  	s10 =	sadd.s32 s10, s0;
	s18 =	sadd.s32 s17, s2;
	s5 =	smul.u32 $0x27100, s5  }
0xc: {  	s11 =	sshrl.u32 s9, $0x1;
	s20 =	sadd.s32 $0x1DA00, s10;
	s10 =	simm.s32 $0x0  }
0xd: {  	s9 =	ssub.s32 s9, s11;
	[dreg:$0xa] =	wrdreg s20;
	s5 =	sadd.s32 s1, s5  }
0xe: {  	s6 =	sshrl.u32 s6, $0x3;
	s26 =	smax.u32 s9, $0x1;
	[dreg:$0xc] =	wrdreg s5  }
0xf: {  	s20 =	simm.s32 $0x3;
	s13 =	sadd.s32 s7, s6;
	[dreg:$0x11] =	wrdreg s26  }
0x10: {  	s9 =	simm.s32 $0xC;
	s14 =	sadd.s32 s8, s6;
	[dreg:$0x4] =	wrdreg s13  }
0x11: {  	s15 =	sadd.s32 s0, s6;
	s6 =	sadd.s32 $0x64, s6;
	[dreg:$0x5] =	wrdreg s14  }
0x12: {  	s26 =	simm.s32 $0x1;
	[dreg:$0x6] =	wrdreg s15;
	s7 =	sadd.s32 s7, s6  }
0x13: {  	s16 =	sadd.s32 s8, s6;
	s0 =	sadd.s32 s0, s6;
	[dreg:$0x7] =	wrdreg s7  }
0x14: {  	s6 =	sshrl.u32 s19, $0x3;
	s19 =	simm.s32 $0xEE00;
	[dreg:$0x8] =	wrdreg s16  }
0x15: {  	s8 =	simm.s32 $0xB;
	[dreg:$0x9] =	wrdreg s0;
	s7 =	sor.u32 $0x1C0D, s21  }
0x16: {  	s23 =	sadd.s32 s1, s6;
	s1 =	sadd.s32 s22, s1;
	s0 =	simm.s32 $0xC600  }
0x17: {  	s22 =	simm.s32 $0x11600;
	[dreg:$0xb] =	wrdreg s7;
	s6 =	sadd.s32 $0x500, s23  }
0x18: {  	s21 =	simm.s32 $0x2;
	s24 =	sadd.s32 $0xA00, s23;
	[dreg:$0xd] =	wrdreg s6  }
0x19: {  	s25 =	sadd.s32 $0x26700, s23;
	s5 =	sadd.s32 $0x26C00, s23;
	[dreg:$0xe] =	wrdreg s24  }
0x1a: {  	s1 =	sadd.s32 s4, s1;
	s23 =	simm.s32 $0x4;
	[dreg:$0xf] =	wrdreg s25  }
0x1b: {  	s4 =	simm.s32 $0x8;
	s7 =	simm.s32 $0xA;
	[dreg:$0x10] =	wrdreg s5  }
0x1c: {  	s12 =	sadd.s32 $0x1400, s1;
	s24 =	sshrl.u32 s18, $0x3;
	s25 =	simm.s32 $0xD  }
0x1d: {  	s1 =	simm.s32 $0x5;
	s5 =	simm.s32 $0x7;
	s6 =	simm.s32 $0x9  }
.LBB2_1:
0x1e: {  	s11 =	rddreg [dreg:$0x4]  }
0x1f: {  	s18 =	rddreg [dreg:$0x5]  }
0x20: {  	s15 =	rddreg [dreg:$0x7]  }
0x21: {  	[tilespmem:s3], [sflag:$0x1] =	stream.linear.gather [hbm4b:s11+s3], $0x320, $0x38;
	[tilespmem:$0x16A00] =	vst v63  }
0x22: {  	s13 =	simm.s32 $0x2780;
	s17 =	rddreg [dreg:$0x8]  }
0x23: {  	[tilespmem:s13], [sflag:$0x1] =	stream.linear.gather [hbm4b:s18+s3], $0x320, $0x38;
	[tilespmem:$0x16A00] =	vst v63  }
0x24: {  	s14 =	simm.s32 $0x4F00;
	s13 =	rddreg [dreg:$0x6]  }
0x25: {  	[tilespmem:s14], [sflag:$0x1] =	stream.linear.gather [hbm4b:s13+s3], $0x320, $0x38;
	[tilespmem:$0x16A00] =	vst v63  }
0x26: {  	s16 =	simm.s32 $0x320;
	s13 =	rddreg [dreg:$0x9]  }
0x27: {  	[tilespmem:s16], [sflag:$0x2] =	stream.linear.gather [hbm4b:s15+s3], $0x23F0, $0x38;
	[tilespmem:$0x16A00] =	vst v63  }
0x28: {  	s18 =	simm.s32 $0x2AA0;
	s15 =	rddreg [dreg:$0xa]  }
0x29: {  	[tilespmem:s18], [sflag:$0x2] =	stream.linear.gather [hbm4b:s17+s3], $0x23F0, $0x38;
	[tilespmem:$0x16A00] =	vst v63  }
0x2a: {  	s14 =	simm.s32 $0x5220;
	s16 =	rddreg [dreg:$0xb]  }
0x2b: {  	[tilespmem:s14], [sflag:$0x2] =	stream.linear.gather [hbm4b:s13+s3], $0x23F0, $0x38;
	[tilespmem:$0x16A00] =	vst v63  }
0x2c: {  	[spmem:s24], [sflag:s16] =	dma.local [hbm:s15], $0x80  }
0x2d: {  	_ =	swait.ge [sflag:s25], $0x80  }
0x2e: {  	[sflag:s25] =	ssyncset.done $0x0  }
0x2f: {  	[sflag:s25] =	ssyncadd.s32 $0xFFFFFF80  }
0x30: {  	_ =	swait.ge [sflag:s26], $0x320  }
0x31: {  	[sflag:s26] =	ssyncset.done $0x0  }
0x32: {  	[sflag:s26] =	ssyncadd.s32 $0xFFFFFCE0  }
0x33: {  	_ =	swait.ge [sflag:s26], $0x320  }
0x34: {  	[sflag:s26] =	ssyncset.done $0x0  }
0x35: {  	[sflag:s26] =	ssyncadd.s32 $0xFFFFFCE0  }
0x36: {  	_ =	swait.ge [sflag:s26], $0x320  }
0x37: {  	[sflag:s26] =	ssyncset.done $0x0  }
0x38: {  	[sflag:s26] =	ssyncadd.s32 $0xFFFFFCE0  }
0x39: {  	[bflag:$0x0] =	sbarrier.arrive $0xFFFF  }
0x3a: {  	v0 =	vld [tilespmem:$0x0]  }
0x3b: {  	v1 =	vld [tilespmem:$0x2780]  }
0x3c: {  	v2 =	vld [tilespmem:$0x4F00]  }
0x3d: {  	v3 =	vld [tilespmem:$0x10]  }
0x3e: {  	v4 =	vld [tilespmem:$0x2790]  }
0x3f: {  	v5 =	vld [tilespmem:$0x4F10]  }
0x40: {  	v6 =	vld [tilespmem:$0x20]  }
0x41: {  	v8 =	vld [tilespmem:$0x30]  }
0x42: {  	v9 =	vld [tilespmem:$0x27B0]  }
0x43: {  	v10 =	vld [tilespmem:$0x40]  }
0x44: {  	v11 =	vld [tilespmem:$0x27C0]  }
0x45: {  	v7 =	vld [tilespmem:$0x27A0]  }
0x46: {  	v43 =	vld [tilespmem:$0x4F30];
	v0 =	vmul.u32 $0x15, v0;
	v1 =	vmul.u32 $0x3, v1;
	v40 =	vmul.u32 $0x15, v3  }
0x47: {  	v46 =	vld [tilespmem:$0x4F40];
	v41 =	vmul.u32 $0x3, v4;
	v44 =	vmul.u32 $0x15, v6;
	v47 =	vmul.u32 $0x15, v8  }
0x48: {  	v42 =	vld [tilespmem:$0x4F20];
	v48 =	vmul.u32 $0x3, v9;
	v50 =	vmul.u32 $0x15, v10;
	v0 =	vadd.s32 v0, v1  }
0x49: {  	v51 =	vmul.u32 $0x3, v11;
	v1 =	vadd.s32 v40, v41;
	v0 =	vadd.s32 v2, v0  }
0x4a: {  	v45 =	vmul.u32 $0x3, v7;
	v52 =	vadd.s32 v47, v48;
	v1 =	vadd.s32 v5, v1;
	[tilespmem:$0x7680] =	vst v0  }
0x4b: {  	v54 =	vadd.s32 v50, v51;
	v53 =	vadd.s32 v43, v52;
	[tilespmem:$0x7690] =	vst v1  }
0x4c: {  	v49 =	vadd.s32 v44, v45;
	v55 =	vadd.s32 v46, v54;
	[tilespmem:$0x76B0] =	vst v53  }
0x4d: {  	v0 =	vadd.s32 v42, v49;
	[tilespmem:$0x76C0] =	vst v55  }
0x4e: {  	s17 =	simm.s32 $0x7680;
	[tilespmem:$0x76A0] =	vst v0  }
0x4f: {  	[tilespmem:s30], [sflag:$0x3] =	stream.indirect.gather [spmem:s2], $0x80, s17, s28, $0xb8;
	[tilespmem:$0x16A00] =	vst v63  }
0x50: {  	v56 =	vld [tilespmem:$0x50]  }
0x51: {  	v57 =	vld [tilespmem:$0x27D0]  }
0x52: {  	v58 =	vld [tilespmem:$0x4F50]  }
0x53: {  	v59 =	vld [tilespmem:$0x60]  }
0x54: {  	v60 =	vld [tilespmem:$0x27E0]  }
0x55: {  	v61 =	vld [tilespmem:$0x4F60]  }
0x56: {  	v62 =	vld [tilespmem:$0x70]  }
0x57: {  	v12 =	vld [tilespmem:$0x80]  }
0x58: {  	v13 =	vld [tilespmem:$0x2800]  }
0x59: {  	v14 =	vld [tilespmem:$0x90]  }
0x5a: {  	v15 =	vld [tilespmem:$0x2810]  }
0x5b: {  	v63 =	vld [tilespmem:$0x27F0]  }
0x5c: {  	v19 =	vld [tilespmem:$0x4F80];
	v0 =	vmul.u32 $0x15, v56;
	v1 =	vmul.u32 $0x3, v57;
	v16 =	vmul.u32 $0x15, v59  }
0x5d: {  	v22 =	vld [tilespmem:$0x4F90];
	v17 =	vmul.u32 $0x3, v60;
	v20 =	vmul.u32 $0x15, v62;
	v23 =	vmul.u32 $0x15, v12  }
0x5e: {  	v18 =	vld [tilespmem:$0x4F70];
	v24 =	vmul.u32 $0x3, v13;
	v26 =	vmul.u32 $0x15, v14;
	v0 =	vadd.s32 v0, v1  }
0x5f: {  	v27 =	vmul.u32 $0x3, v15;
	v1 =	vadd.s32 v16, v17;
	v0 =	vadd.s32 v58, v0  }
0x60: {  	v21 =	vmul.u32 $0x3, v63;
	v28 =	vadd.s32 v23, v24;
	v1 =	vadd.s32 v61, v1;
	[tilespmem:$0x76D0] =	vst v0  }
0x61: {  	v30 =	vadd.s32 v26, v27;
	v29 =	vadd.s32 v19, v28;
	[tilespmem:$0x76E0] =	vst v1  }
0x62: {  	v25 =	vadd.s32 v20, v21;
	v31 =	vadd.s32 v22, v30;
	[tilespmem:$0x7700] =	vst v29  }
0x63: {  	v0 =	vadd.s32 v18, v25;
	[tilespmem:$0x7710] =	vst v31  }
0x64: {  	s18 =	simm.s32 $0x76D0;
	[tilespmem:$0x76F0] =	vst v0  }
0x65: {  	[tilespmem:s0], [sflag:$0x4] =	stream.indirect.gather [spmem:s2], $0x80, s18, s28, $0xb8;
	[tilespmem:$0x16A00] =	vst v63  }
0x66: {  	v32 =	vld [tilespmem:$0xA0]  }
0x67: {  	v33 =	vld [tilespmem:$0x2820]  }
0x68: {  	v34 =	vld [tilespmem:$0x4FA0]  }
0x69: {  	v35 =	vld [tilespmem:$0xB0]  }
0x6a: {  	v36 =	vld [tilespmem:$0x2830]  }
0x6b: {  	v37 =	vld [tilespmem:$0x4FB0]  }
0x6c: {  	v38 =	vld [tilespmem:$0xC0]  }
0x6d: {  	v40 =	vld [tilespmem:$0xD0]  }
0x6e: {  	v41 =	vld [tilespmem:$0x2850]  }
0x6f: {  	v42 =	vld [tilespmem:$0xE0]  }
0x70: {  	v43 =	vld [tilespmem:$0x2860]  }
0x71: {  	v39 =	vld [tilespmem:$0x2840]  }
0x72: {  	v47 =	vld [tilespmem:$0x4FD0];
	v0 =	vmul.u32 $0x15, v32;
	v1 =	vmul.u32 $0x3, v33;
	v44 =	vmul.u32 $0x15, v35  }
0x73: {  	v50 =	vld [tilespmem:$0x4FE0];
	v45 =	vmul.u32 $0x3, v36;
	v48 =	vmul.u32 $0x15, v38;
	v51 =	vmul.u32 $0x15, v40  }
0x74: {  	v46 =	vld [tilespmem:$0x4FC0];
	v52 =	vmul.u32 $0x3, v41;
	v54 =	vmul.u32 $0x15, v42;
	v0 =	vadd.s32 v0, v1  }
0x75: {  	v55 =	vmul.u32 $0x3, v43;
	v1 =	vadd.s32 v44, v45;
	v0 =	vadd.s32 v34, v0  }
0x76: {  	v49 =	vmul.u32 $0x3, v39;
	v56 =	vadd.s32 v51, v52;
	v1 =	vadd.s32 v37, v1;
	[tilespmem:$0x7720] =	vst v0  }
0x77: {  	v58 =	vadd.s32 v54, v55;
	v57 =	vadd.s32 v47, v56;
	[tilespmem:$0x7730] =	vst v1  }
0x78: {  	v53 =	vadd.s32 v48, v49;
	v59 =	vadd.s32 v50, v58;
	[tilespmem:$0x7750] =	vst v57  }
0x79: {  	v0 =	vadd.s32 v46, v53;
	[tilespmem:$0x7760] =	vst v59  }
0x7a: {  	s13 =	simm.s32 $0x7720;
	[tilespmem:$0x7740] =	vst v0  }
0x7b: {  	[tilespmem:s19], [sflag:$0x5] =	stream.indirect.gather [spmem:s2], $0x80, s13, s28, $0xb8;
	[tilespmem:$0x16A00] =	vst v63  }
0x7c: {  	_ =	swait.ge [sflag:s20], $0x2800  }
0x7d: {  	[sflag:s20] =	ssyncset.done $0x0  }
0x7e: {  	s14 =	rddreg [dreg:$0xc];
	[sflag:s20] =	ssyncadd.s32 $0xFFFFD800  }
0x7f: {  	[hbm4b:s14+s3] =	stream.linear.scatter [tilespmem:s30], [sflag:$0x8], $0x2800, $0x38;
	[tilespmem:$0x16A00] =	vst v63  }
0x80: {  	v60 =	vld [tilespmem:$0xF0]  }
0x81: {  	v61 =	vld [tilespmem:$0x2870]  }
0x82: {  	v62 =	vld [tilespmem:$0x4FF0]  }
0x83: {  	v63 =	vld [tilespmem:$0x100]  }
0x84: {  	v12 =	vld [tilespmem:$0x2880]  }
0x85: {  	v13 =	vld [tilespmem:$0x5000]  }
0x86: {  	v14 =	vld [tilespmem:$0x110]  }
0x87: {  	v16 =	vld [tilespmem:$0x120]  }
0x88: {  	v17 =	vld [tilespmem:$0x28A0]  }
0x89: {  	v18 =	vld [tilespmem:$0x130]  }
0x8a: {  	v19 =	vld [tilespmem:$0x28B0]  }
0x8b: {  	v15 =	vld [tilespmem:$0x2890]  }
0x8c: {  	v23 =	vld [tilespmem:$0x5020];
	v0 =	vmul.u32 $0x15, v60;
	v1 =	vmul.u32 $0x3, v61;
	v20 =	vmul.u32 $0x15, v63  }
0x8d: {  	v26 =	vld [tilespmem:$0x5030];
	v21 =	vmul.u32 $0x3, v12;
	v24 =	vmul.u32 $0x15, v14;
	v27 =	vmul.u32 $0x15, v16  }
0x8e: {  	v22 =	vld [tilespmem:$0x5010];
	v28 =	vmul.u32 $0x3, v17;
	v30 =	vmul.u32 $0x15, v18;
	v0 =	vadd.s32 v0, v1  }
0x8f: {  	v31 =	vmul.u32 $0x3, v19;
	v1 =	vadd.s32 v20, v21;
	v0 =	vadd.s32 v62, v0  }
0x90: {  	v25 =	vmul.u32 $0x3, v15;
	v32 =	vadd.s32 v27, v28;
	v1 =	vadd.s32 v13, v1;
	[tilespmem:$0x7770] =	vst v0  }
0x91: {  	v34 =	vadd.s32 v30, v31;
	v33 =	vadd.s32 v23, v32;
	[tilespmem:$0x7780] =	vst v1  }
0x92: {  	v29 =	vadd.s32 v24, v25;
	v35 =	vadd.s32 v26, v34;
	[tilespmem:$0x77A0] =	vst v33  }
0x93: {  	v0 =	vadd.s32 v22, v29;
	[tilespmem:$0x77B0] =	vst v35  }
0x94: {  	s15 =	simm.s32 $0x7770;
	[tilespmem:$0x7790] =	vst v0  }
0x95: {  	[tilespmem:s22], [sflag:$0x6] =	stream.indirect.gather [spmem:s2], $0x80, s15, s28, $0xb8;
	[tilespmem:$0x16A00] =	vst v63  }
0x96: {  	_ =	swait.ge [sflag:s23], $0x2800  }
0x97: {  	[sflag:s23] =	ssyncset.done $0x0  }
0x98: {  	s16 =	rddreg [dreg:$0xd];
	[sflag:s23] =	ssyncadd.s32 $0xFFFFD800  }
0x99: {  	[hbm4b:s16+s3] =	stream.linear.scatter [tilespmem:s0], [sflag:$0x9], $0x2800, $0x38;
	[tilespmem:$0x16A00] =	vst v63  }
0x9a: {  	v36 =	vld [tilespmem:$0x140]  }
0x9b: {  	v37 =	vld [tilespmem:$0x28C0]  }
0x9c: {  	v38 =	vld [tilespmem:$0x5040]  }
0x9d: {  	v39 =	vld [tilespmem:$0x150]  }
0x9e: {  	v40 =	vld [tilespmem:$0x28D0]  }
0x9f: {  	v41 =	vld [tilespmem:$0x5050]  }
0xa0: {  	v42 =	vld [tilespmem:$0x160]  }
0xa1: {  	v44 =	vld [tilespmem:$0x170]  }
0xa2: {  	v45 =	vld [tilespmem:$0x28F0]  }
0xa3: {  	v46 =	vld [tilespmem:$0x180]  }
0xa4: {  	v47 =	vld [tilespmem:$0x2900]  }
0xa5: {  	v43 =	vld [tilespmem:$0x28E0]  }
0xa6: {  	v51 =	vld [tilespmem:$0x5070];
	v0 =	vmul.u32 $0x15, v36;
	v1 =	vmul.u32 $0x3, v37;
	v48 =	vmul.u32 $0x15, v39  }
0xa7: {  	v54 =	vld [tilespmem:$0x5080];
	v49 =	vmul.u32 $0x3, v40;
	v52 =	vmul.u32 $0x15, v42;
	v55 =	vmul.u32 $0x15, v44  }
0xa8: {  	v50 =	vld [tilespmem:$0x5060];
	v56 =	vmul.u32 $0x3, v45;
	v58 =	vmul.u32 $0x15, v46;
	v0 =	vadd.s32 v0, v1  }
0xa9: {  	v59 =	vmul.u32 $0x3, v47;
	v1 =	vadd.s32 v48, v49;
	v0 =	vadd.s32 v38, v0  }
0xaa: {  	v53 =	vmul.u32 $0x3, v43;
	v60 =	vadd.s32 v55, v56;
	v1 =	vadd.s32 v41, v1;
	[tilespmem:$0x77C0] =	vst v0  }
0xab: {  	v62 =	vadd.s32 v58, v59;
	v61 =	vadd.s32 v51, v60;
	[tilespmem:$0x77D0] =	vst v1  }
0xac: {  	v57 =	vadd.s32 v52, v53;
	v63 =	vadd.s32 v54, v62;
	[tilespmem:$0x77F0] =	vst v61  }
0xad: {  	v0 =	vadd.s32 v50, v57;
	[tilespmem:$0x7800] =	vst v63  }
0xae: {  	s17 =	simm.s32 $0x77C0;
	[tilespmem:$0x77E0] =	vst v0  }
0xaf: {  	[tilespmem:s31], [sflag:$0x7] =	stream.indirect.gather [spmem:s2], $0x80, s17, s28, $0xb8;
	[tilespmem:$0x16A00] =	vst v63  }
0xb0: {  	_ =	swait.ge [sflag:s1], $0x2800  }
0xb1: {  	[sflag:s1] =	ssyncset.done $0x0  }
0xb2: {  	s18 =	rddreg [dreg:$0xe];
	[sflag:s1] =	ssyncadd.s32 $0xFFFFD800  }
0xb3: {  	[hbm4b:s18+s3] =	stream.linear.scatter [tilespmem:s19], [sflag:$0xA], $0x2800, $0x38;
	[tilespmem:$0x16A00] =	vst v63  }
0xb4: {  	_ =	swait.ge [sflag:s21], $0x23F0  }
0xb5: {  	[sflag:s21] =	ssyncset.done $0x0  }
0xb6: {  	[sflag:s21] =	ssyncadd.s32 $0xFFFFDC10  }
0xb7: {  	_ =	swait.ge [sflag:s21], $0x23F0  }
0xb8: {  	[sflag:s21] =	ssyncset.done $0x0  }
0xb9: {  	[sflag:s21] =	ssyncadd.s32 $0xFFFFDC10  }
0xba: {  	_ =	swait.ge [sflag:s21], $0x23F0  }
0xbb: {  	s11 =	simm.s32 $0x0;
	[sflag:s21] =	ssyncset.done $0x0  }
0xbc: {  	s13 =	simm.s32 $0x0;
	s18 =	smov.u32 s12;
	[sflag:s21] =	ssyncadd.s32 $0xFFFFDC10  }
.LBB2_2:
0xbd: {  	s14 =	sshra.s32 s13, $0x2  }
0xbe: {  	v0 =	vld [tilespmem:s14+$0x190]  }
0xbf: {  	v1 =	vld [tilespmem:s14+$0x2910]  }
0xc0: {  	v2 =	vld [tilespmem:s14+$0x5090]  }
0xc1: {  	v3 =	vld [tilespmem:s14+$0x1A0]  }
0xc2: {  	v4 =	vld [tilespmem:s14+$0x2920]  }
0xc3: {  	v5 =	vld [tilespmem:s14+$0x50A0]  }
0xc4: {  	v6 =	vld [tilespmem:s14+$0x1B0]  }
0xc5: {  	v8 =	vld [tilespmem:s14+$0x1C0]  }
0xc6: {  	v9 =	vld [tilespmem:s14+$0x2940]  }
0xc7: {  	v10 =	vld [tilespmem:s14+$0x1D0]  }
0xc8: {  	v11 =	vld [tilespmem:s14+$0x2950]  }
0xc9: {  	v7 =	vld [tilespmem:s14+$0x2930]  }
0xca: {  	v16 =	vld [tilespmem:s14+$0x50C0];
	v0 =	vmul.u32 $0x15, v0;
	v1 =	vmul.u32 $0x3, v1;
	v13 =	vmul.u32 $0x15, v3  }
0xcb: {  	v19 =	vld [tilespmem:s14+$0x50D0];
	v14 =	vmul.u32 $0x3, v4;
	v17 =	vmul.u32 $0x15, v6;
	v20 =	vmul.u32 $0x15, v8  }
0xcc: {  	v15 =	vld [tilespmem:s14+$0x50B0];
	v21 =	vmul.u32 $0x3, v9;
	v23 =	vmul.u32 $0x15, v10;
	v0 =	vadd.s32 v0, v1  }
0xcd: {  	v24 =	vmul.u32 $0x3, v11;
	v1 =	vadd.s32 v13, v14;
	v0 =	vadd.s32 v2, v0  }
0xce: {  	v18 =	vmul.u32 $0x3, v7;
	v25 =	vadd.s32 v20, v21;
	v1 =	vadd.s32 v5, v1;
	[tilespmem:s14+$0x7810] =	vst v0  }
0xcf: {  	v27 =	vadd.s32 v23, v24;
	v26 =	vadd.s32 v16, v25;
	[tilespmem:s14+$0x7820] =	vst v1  }
0xd0: {  	v22 =	vadd.s32 v17, v18;
	v28 =	vadd.s32 v19, v27;
	[tilespmem:s14+$0x7840] =	vst v26  }
0xd1: {  	v0 =	vadd.s32 v15, v22;
	[tilespmem:s14+$0x7850] =	vst v28  }
0xd2: {  	[tilespmem:s14+$0x7830] =	vst v0  }
0xd3: {  	_ =	swait.ge [sflag:s29], $0x2800  }
0xd4: {  	[sflag:s29] =	ssyncset.done $0x0  }
0xd5: {  	s15 =	sadd.s32 $0xFFFFFB00, s18;
	[sflag:s29] =	ssyncadd.s32 $0xFFFFD800  }
0xd6: {  	[hbm4b:s15+s3] =	stream.linear.scatter [tilespmem:s22], [sflag:$0xB], $0x2800, $0x38;
	[tilespmem:$0x16A00] =	vst v63  }
0xd7: {  	_ =	swait.ge [sflag:s4], $0x2800  }
0xd8: {  	[sflag:s4] =	ssyncset.done $0x0  }
0xd9: {  	s16 =	sadd.s32 $0x7810, s14;
	[sflag:s4] =	ssyncadd.s32 $0xFFFFD800  }
0xda: {  	[tilespmem:s30], [sflag:$0x3] =	stream.indirect.gather [spmem:s2], $0x80, s16, s28, $0xb8;
	[tilespmem:$0x16A00] =	vst v63  }
0xdb: {  	v29 =	vld [tilespmem:s14+$0x1E0]  }
0xdc: {  	v30 =	vld [tilespmem:s14+$0x2960]  }
0xdd: {  	v31 =	vld [tilespmem:s14+$0x1F0]  }
0xde: {  	v32 =	vld [tilespmem:s14+$0x2970];
	_ =	sdelay $0x1  }
0xdf: {  	v33 =	vld [tilespmem:s14+$0x50E0]  }
0xe0: {  	v34 =	vld [tilespmem:s14+$0x50F0]  }
0xe1: {  	v0 =	vmul.u32 $0x15, v29;
	v1 =	vmul.u32 $0x3, v30  }
0xe2: {  	v2 =	vmul.u32 $0x15, v31;
	v3 =	vmul.u32 $0x3, v32  }
0xe3: {  	v0 =	vadd.s32 v0, v1  }
0xe4: {  	v35 =	vadd.s32 v2, v3;
	v0 =	vadd.s32 v33, v0  }
0xe5: {  	v36 =	vadd.s32 v34, v35;
	[tilespmem:s14+$0x7860] =	vst v0  }
0xe6: {  	s15 =	sand.u32 $0x3FF0, s11;
	[tilespmem:s14+$0x7870] =	vst v36  }
0xe7: {  	v0 =	vld [tilespmem:s15+$0x200]  }
0xe8: {  	v37 =	vld [tilespmem:s15+$0x2980];
	_ =	sdelay $0x2  }
0xe9: {  	v38 =	vld [tilespmem:s15+$0x5100];
	_ =	sdelay $0x1  }
0xea: {  	v0 =	vmul.u32 $0x15, v0;
	v1 =	vmul.u32 $0x3, v37;
	_ =	sdelay $0x1  }
0xeb: {  	v0 =	vadd.s32 v0, v1  }
0xec: {  	v0 =	vadd.s32 v38, v0  }
0xed: {  	[tilespmem:s15+$0x7880] =	vst v0  }
0xee: {  	v0 =	vld [tilespmem:s14+$0x210]  }
0xef: {  	v39 =	vld [tilespmem:s14+$0x2990]  }
0xf0: {  	v40 =	vld [tilespmem:s14+$0x220]  }
0xf1: {  	v41 =	vld [tilespmem:s14+$0x29A0];
	_ =	sdelay $0x1  }
0xf2: {  	v42 =	vld [tilespmem:s14+$0x5110]  }
0xf3: {  	v43 =	vld [tilespmem:s14+$0x5120]  }
0xf4: {  	v0 =	vmul.u32 $0x15, v0;
	v1 =	vmul.u32 $0x3, v39  }
0xf5: {  	v2 =	vmul.u32 $0x15, v40;
	v3 =	vmul.u32 $0x3, v41  }
0xf6: {  	v0 =	vadd.s32 v0, v1  }
0xf7: {  	v44 =	vadd.s32 v2, v3;
	v0 =	vadd.s32 v42, v0  }
0xf8: {  	v45 =	vadd.s32 v43, v44;
	[tilespmem:s14+$0x7890] =	vst v0  }
0xf9: {  	[tilespmem:s14+$0x78A0] =	vst v45  }
0xfa: {  	_ =	swait.ge [sflag:s5], $0x2800  }
0xfb: {  	[sflag:s5] =	ssyncset.done $0x0  }
0xfc: {  	[sflag:s5] =	ssyncadd.s32 $0xFFFFD800  }
0xfd: {  	[hbm4b:s18+s3] =	stream.linear.scatter [tilespmem:s31], [sflag:$0xC], $0x2800, $0x38;
	[tilespmem:$0x16A00] =	vst v63  }
0xfe: {  	_ =	swait.ge [sflag:s6], $0x2800  }
0xff: {  	[sflag:s6] =	ssyncset.done $0x0  }
0x100: {  	s16 =	sadd.s32 $0x7860, s14;
	[sflag:s6] =	ssyncadd.s32 $0xFFFFD800  }
0x101: {  	[tilespmem:s0], [sflag:$0x4] =	stream.indirect.gather [spmem:s2], $0x80, s16, s28, $0xb8;
	[tilespmem:$0x16A00] =	vst v63  }
0x102: {  	v46 =	vld [tilespmem:s14+$0x230]  }
0x103: {  	v47 =	vld [tilespmem:s14+$0x29B0]  }
0x104: {  	v48 =	vld [tilespmem:s14+$0x5130]  }
0x105: {  	v49 =	vld [tilespmem:s14+$0x240]  }
0x106: {  	v50 =	vld [tilespmem:s14+$0x29C0]  }
0x107: {  	v51 =	vld [tilespmem:s14+$0x5140]  }
0x108: {  	v52 =	vld [tilespmem:s14+$0x250]  }
0x109: {  	v54 =	vld [tilespmem:s14+$0x260]  }
0x10a: {  	v55 =	vld [tilespmem:s14+$0x29E0]  }
0x10b: {  	v56 =	vld [tilespmem:s14+$0x270]  }
0x10c: {  	v57 =	vld [tilespmem:s14+$0x29F0]  }
0x10d: {  	v53 =	vld [tilespmem:s14+$0x29D0]  }
0x10e: {  	v61 =	vld [tilespmem:s14+$0x5160];
	v0 =	vmul.u32 $0x15, v46;
	v1 =	vmul.u32 $0x3, v47;
	v58 =	vmul.u32 $0x15, v49  }
0x10f: {  	v12 =	vld [tilespmem:s14+$0x5170];
	v59 =	vmul.u32 $0x3, v50;
	v62 =	vmul.u32 $0x15, v52;
	v13 =	vmul.u32 $0x15, v54  }
0x110: {  	v60 =	vld [tilespmem:s14+$0x5150];
	v14 =	vmul.u32 $0x3, v55;
	v16 =	vmul.u32 $0x15, v56;
	v0 =	vadd.s32 v0, v1  }
0x111: {  	v17 =	vmul.u32 $0x3, v57;
	v1 =	vadd.s32 v58, v59;
	v0 =	vadd.s32 v48, v0  }
0x112: {  	v63 =	vmul.u32 $0x3, v53;
	v18 =	vadd.s32 v13, v14;
	v1 =	vadd.s32 v51, v1;
	[tilespmem:s14+$0x78B0] =	vst v0  }
0x113: {  	v20 =	vadd.s32 v16, v17;
	v19 =	vadd.s32 v61, v18;
	[tilespmem:s14+$0x78C0] =	vst v1  }
0x114: {  	v15 =	vadd.s32 v62, v63;
	v21 =	vadd.s32 v12, v20;
	[tilespmem:s14+$0x78E0] =	vst v19  }
0x115: {  	v0 =	vadd.s32 v60, v15;
	[tilespmem:s14+$0x78F0] =	vst v21  }
0x116: {  	[tilespmem:s14+$0x78D0] =	vst v0  }
0x117: {  	_ =	swait.ge [sflag:s20], $0x2800  }
0x118: {  	[sflag:s20] =	ssyncset.done $0x0  }
0x119: {  	s17 =	sadd.s32 $0x500, s18;
	[sflag:s20] =	ssyncadd.s32 $0xFFFFD800  }
0x11a: {  	[hbm4b:s17+s3] =	stream.linear.scatter [tilespmem:s30], [sflag:$0x8], $0x2800, $0x38;
	[tilespmem:$0x16A00] =	vst v63  }
0x11b: {  	_ =	swait.ge [sflag:s7], $0x2800  }
0x11c: {  	[sflag:s7] =	ssyncset.done $0x0  }
0x11d: {  	s16 =	sadd.s32 $0x280, s11;
	s17 =	sadd.s32 $0x78B0, s14;
	[sflag:s7] =	ssyncadd.s32 $0xFFFFD800  }
0x11e: {  	[tilespmem:s19], [sflag:$0x5] =	stream.indirect.gather [spmem:s2], $0x80, s17, s28, $0xb8;
	[tilespmem:$0x16A00] =	vst v63  }
0x11f: {  	s16 =	sand.u32 $0x7F80, s16;
	s17 =	sand.u32 $0x70, s11  }
0x120: {  	s16 =	sor.u32 s17, s16  }
0x121: {  	v22 =	vld [tilespmem:s16+$0x0]  }
0x122: {  	v23 =	vld [tilespmem:s16+$0x2780];
	_ =	sdelay $0x2  }
0x123: {  	v24 =	vld [tilespmem:s16+$0x4F00];
	_ =	sdelay $0x1  }
0x124: {  	v0 =	vmul.u32 $0x15, v22;
	v1 =	vmul.u32 $0x3, v23;
	_ =	sdelay $0x1  }
0x125: {  	v0 =	vadd.s32 v0, v1  }
0x126: {  	v0 =	vadd.s32 v24, v0  }
0x127: {  	[tilespmem:s16+$0x7680] =	vst v0  }
0x128: {  	v0 =	vld [tilespmem:s14+$0x290]  }
0x129: {  	v25 =	vld [tilespmem:s14+$0x2A10]  }
0x12a: {  	v26 =	vld [tilespmem:s14+$0x5190]  }
0x12b: {  	v27 =	vld [tilespmem:s14+$0x2A0]  }
0x12c: {  	v28 =	vld [tilespmem:s14+$0x2A20]  }
0x12d: {  	v29 =	vld [tilespmem:s14+$0x2B0]  }
0x12e: {  	v30 =	vld [tilespmem:s14+$0x2A30]  }
0x12f: {  	v31 =	vld [tilespmem:s14+$0x2C0]  }
0x130: {  	v32 =	vld [tilespmem:s14+$0x2A40]  }
0x131: {  	v33 =	vld [tilespmem:s14+$0x51A0]  }
0x132: {  	v34 =	vld [tilespmem:s14+$0x51B0];
	v0 =	vmul.u32 $0x15, v0;
	v1 =	vmul.u32 $0x3, v25  }
0x133: {  	v37 =	vld [tilespmem:s14+$0x51C0];
	v35 =	vmul.u32 $0x15, v27;
	v36 =	vmul.u32 $0x3, v28;
	v38 =	vmul.u32 $0x15, v29  }
0x134: {  	v39 =	vmul.u32 $0x3, v30;
	v40 =	vmul.u32 $0x15, v31;
	v0 =	vadd.s32 v0, v1  }
0x135: {  	v41 =	vmul.u32 $0x3, v32;
	v1 =	vadd.s32 v35, v36;
	v0 =	vadd.s32 v26, v0  }
0x136: {  	v43 =	vadd.s32 v38, v39;
	v42 =	vadd.s32 v33, v1;
	[tilespmem:s14+$0x7910] =	vst v0  }
0x137: {  	v45 =	vadd.s32 v40, v41;
	v44 =	vadd.s32 v34, v43;
	[tilespmem:s14+$0x7920] =	vst v42  }
0x138: {  	v46 =	vadd.s32 v37, v45;
	[tilespmem:s14+$0x7930] =	vst v44  }
0x139: {  	[tilespmem:s14+$0x7940] =	vst v46  }
0x13a: {  	_ =	swait.ge [sflag:s23], $0x2800  }
0x13b: {  	[sflag:s23] =	ssyncset.done $0x0  }
0x13c: {  	s17 =	sadd.s32 $0xA00, s18;
	[sflag:s23] =	ssyncadd.s32 $0xFFFFD800  }
0x13d: {  	[hbm4b:s17+s3] =	stream.linear.scatter [tilespmem:s0], [sflag:$0x9], $0x2800, $0x38;
	[tilespmem:$0x16A00] =	vst v63  }
0x13e: {  	_ =	swait.ge [sflag:s8], $0x2800  }
0x13f: {  	[sflag:s8] =	ssyncset.done $0x0  }
0x140: {  	s17 =	sadd.s32 $0x7900, s14;
	[sflag:s8] =	ssyncadd.s32 $0xFFFFD800  }
0x141: {  	[tilespmem:s22], [sflag:$0x6] =	stream.indirect.gather [spmem:s2], $0x80, s17, s28, $0xb8;
	[tilespmem:$0x16A00] =	vst v63  }
0x142: {  	v47 =	vld [tilespmem:s14+$0x2D0]  }
0x143: {  	v48 =	vld [tilespmem:s14+$0x2A50]  }
0x144: {  	v49 =	vld [tilespmem:s14+$0x2E0]  }
0x145: {  	v50 =	vld [tilespmem:s14+$0x2A60]  }
0x146: {  	v51 =	vld [tilespmem:s14+$0x2F0]  }
0x147: {  	v52 =	vld [tilespmem:s14+$0x2A70]  }
0x148: {  	v53 =	vld [tilespmem:s14+$0x51D0]  }
0x149: {  	v54 =	vld [tilespmem:s14+$0x51E0]  }
0x14a: {  	v55 =	vld [tilespmem:s14+$0x51F0];
	v0 =	vmul.u32 $0x15, v47;
	v1 =	vmul.u32 $0x3, v48  }
0x14b: {  	v2 =	vmul.u32 $0x15, v49;
	v3 =	vmul.u32 $0x3, v50  }
0x14c: {  	v56 =	vmul.u32 $0x15, v51;
	v57 =	vmul.u32 $0x3, v52;
	v0 =	vadd.s32 v0, v1  }
0x14d: {  	v2 =	vadd.s32 v2, v3;
	v0 =	vadd.s32 v53, v0  }
0x14e: {  	v1 =	vadd.s32 v56, v57;
	v58 =	vadd.s32 v54, v2;
	[tilespmem:s14+$0x7950] =	vst v0  }
0x14f: {  	v59 =	vadd.s32 v55, v1;
	[tilespmem:s14+$0x7960] =	vst v58  }
0x150: {  	[tilespmem:s14+$0x7970] =	vst v59  }
0x151: {  	v0 =	vld [tilespmem:s15+$0x300]  }
0x152: {  	v60 =	vld [tilespmem:s15+$0x2A80];
	_ =	sdelay $0x2  }
0x153: {  	v61 =	vld [tilespmem:s15+$0x5200];
	_ =	sdelay $0x1  }
0x154: {  	v0 =	vmul.u32 $0x15, v0;
	v1 =	vmul.u32 $0x3, v60;
	_ =	sdelay $0x1  }
0x155: {  	v0 =	vadd.s32 v0, v1  }
0x156: {  	v0 =	vadd.s32 v61, v0  }
0x157: {  	[tilespmem:s15+$0x7980] =	vst v0  }
0x158: {  	v0 =	vld [tilespmem:s14+$0x310]  }
0x159: {  	v62 =	vld [tilespmem:s14+$0x2A90];
	_ =	sdelay $0x2  }
0x15a: {  	v63 =	vld [tilespmem:s14+$0x5210];
	_ =	sdelay $0x1  }
0x15b: {  	v0 =	vmul.u32 $0x15, v0;
	v1 =	vmul.u32 $0x3, v62;
	_ =	sdelay $0x1  }
0x15c: {  	v0 =	vadd.s32 v0, v1  }
0x15d: {  	v0 =	vadd.s32 v63, v0  }
0x15e: {  	[tilespmem:s14+$0x7990] =	vst v0  }
0x15f: {  	_ =	swait.ge [sflag:s1], $0x2800  }
0x160: {  	[sflag:s1] =	ssyncset.done $0x0  }
0x161: {  	p0 =	sne.s32 s13, $0x8FC0;
	s17 =	sadd.s32 $0xF00, s18;
	[sflag:s1] =	ssyncadd.s32 $0xFFFFD800  }
0x162: {  	[hbm4b:s17+s3] =	stream.linear.scatter [tilespmem:s19], [sflag:$0xA], $0x2800, $0x38;
	[tilespmem:$0x16A00] =	vst v63  }
.Ltmp0:
0x163: {  	_ = 	snop;
	(pc) =	sbr.rel @p0 .LBB2_2-.Ltmp0, $4  }
0x164: {  	_ =	swait.ge [sflag:s9], $0x2800  }
0x165: {  	s13 =	sadd.s32 $0x640, s13;
	s11 =	sadd.s32 $0x190, s11;
	[sflag:s9] =	ssyncset.done $0x0  }
0x166: {  	s18 =	sadd.s32 $0x1900, s18;
	s14 =	sadd.s32 $0x7950, s14;
	[sflag:s9] =	ssyncadd.s32 $0xFFFFD800  }
0x167: {  	[tilespmem:s31], [sflag:$0x7] =	stream.indirect.gather [spmem:s2], $0x80, s14, s28, $0xb8;
	[tilespmem:$0x16A00] =	vst v63  }
0x168: {  	_ =	swait.ge [sflag:s29], $0x2800  }
0x169: {  	[sflag:s29] =	ssyncset.done $0x0  }
0x16a: {  	s11 =	rddreg [dreg:$0xf];
	[sflag:s29] =	ssyncadd.s32 $0xFFFFD800  }
0x16b: {  	[hbm4b:s11+s3] =	stream.linear.scatter [tilespmem:s22], [sflag:$0xB], $0x2800, $0x38;
	[tilespmem:$0x16A00] =	vst v63  }
0x16c: {  	_ =	swait.ge [sflag:s5], $0x2800  }
0x16d: {  	[sflag:s5] =	ssyncset.done $0x0  }
0x16e: {  	s17 =	rddreg [dreg:$0x10];
	[sflag:s5] =	ssyncadd.s32 $0xFFFFD800  }
0x16f: {  	[hbm4b:s17+s3] =	stream.linear.scatter [tilespmem:s31], [sflag:$0xC], $0x2800, $0x38;
	[tilespmem:$0x16A00] =	vst v63  }
0x170: {  	_ =	swait.ge [sflag:s4], $0x2800  }
0x171: {  	[sflag:s4] =	ssyncset.done $0x0  }
0x172: {  	[sflag:s4] =	ssyncadd.s32 $0xFFFFD800  }
0x173: {  	_ =	swait.ge [sflag:s6], $0x2800  }
0x174: {  	[sflag:s6] =	ssyncset.done $0x0  }
0x175: {  	[sflag:s6] =	ssyncadd.s32 $0xFFFFD800  }
0x176: {  	_ =	swait.ge [sflag:s7], $0x2800  }
0x177: {  	[sflag:s7] =	ssyncset.done $0x0  }
0x178: {  	[sflag:s7] =	ssyncadd.s32 $0xFFFFD800  }
0x179: {  	_ =	swait.ge [sflag:s8], $0x2800  }
0x17a: {  	[sflag:s8] =	ssyncset.done $0x0  }
0x17b: {  	[sflag:s8] =	ssyncadd.s32 $0xFFFFD800  }
0x17c: {  	_ =	swait.ge [sflag:s9], $0x2800  }
0x17d: {  	s10 =	sadd.s32 $0x1, s10;
	s18 =	rddreg [dreg:$0x11]  }
0x17e: {  	p0 =	sne.s32 s10, s18  }
.Ltmp1:
0x17f: {  	_ = 	snop;
	(pc) =	sbr.rel @p0 .LBB2_1-.Ltmp1, $3  }
0x180: {  	_ =	sdelay $0x1  }
0x181: {  	[sflag:s9] =	ssyncset.done $0x0  }
0x182: {  	[sflag:s9] =	ssyncadd.s32 $0xFFFFD800  }
0x183: {  	_ =	sfence.sel $0x180000  }
0x184: {  	[bflag:$0x0] =	sbarrier.arrive $0xFFFF  }
0x185: {  	_ =	strace $0x90000047  }
0x186: {  	s0 =	stileid.u32;
	[bflag:$0x2] =	sbarrier.arrive $0xFFFF  }
0x187: {  	p0 =	sne.s32 s0, $0x0;
	s0 =	rddreg [dreg:$0x3]  }
0x188: {  	s0 =	sadd.s32 @!p0 $0x100000, s0  }
0x189: {  	[sflag:s0] =	ssyncadd.tile.s32 @!p0 $0x1;
	_ =	shalt  }
.Lfunc_end2:
_tile_overlayer_lowered:
.L_overlay_start_2:
0x18a: {  	(tag) =	ssettag $0x2  }
0x18b: {  	s0 =	rddreg [dreg:$0x0];
	s2 =	stileid.u32  }
0x18c: {  	s1 =	rddreg [dreg:$0x1];
	p0 =	sne.s32 s2, $0x0  }
0x18d: {  	s3 =	rddreg [dreg:$0x2];
	[bflag:$0x3] =	sbarrier.arrive $0xFFFF;
	s2 =	simm.s32 @!p0 $0x1C0D  }
0x18e: {  	[timem:s3], [sflag:s2] =	dma.local @!p0 [hbm:s0], s1  }
0x18f: {  	s0 =	simm.s32 @!p0 $0xD  }
0x190: {  	_ =	swait.ge @!p0 [sflag:s0], s1  }
0x191: {  	s1 =	ssub.s32 @!p0 $0x0, s1;
	[sflag:s0] =	ssyncset.done @!p0 $0x0  }
0x192: {  	[sflag:s0] =	ssyncadd.s32 @!p0 s1  }
0x193: {  	[bflag:$0x3] =	sbarrier.arrive $0xFFFF  }
0x194: {  	_ =	shalt  }

</sc_bundles>
